<compile_context>
chip_gen: v7x
topology: tpu7x:2x2x1
jax: 0.10.2.dev20260603
libtpu: 0.0.44.dev20260713+nightly
codegen_flags: <defaults>
</compile_context>

<pallas_src>
import functools

import jax
import jax.numpy as jnp
from jax import lax
from jax.experimental import pallas as pl
from jax.experimental.pallas import tpu as pltpu
from jax.experimental.pallas import tpu_sc as plsc

VOCAB = 1000
BATCH = 1024
SEQ = 50

NC = 2
NS = 16
NW = NC * NS

NV = 32
V0_CAP = VOCAB - NV
LANES = 16
NK = BATCH // LANES


def _sc_transpose_gather(ind_t, table_t):
    mesh = plsc.VectorSubcoreMesh(core_axis_name="c", subcore_axis_name="s")

    @functools.partial(
        pl.kernel,
        out_type=jax.ShapeDtypeStruct((SEQ, VOCAB, BATCH), jnp.float32),
        mesh=mesh,
        compiler_params=pltpu.CompilerParams(needs_layout_passes=False),
        scratch_types=[
            pltpu.VMEM((NV, BATCH), jnp.float32),
            pltpu.VMEM((BATCH,), jnp.int32),
            pltpu.VMEM((BATCH,), jnp.int32),
            pltpu.VMEM((NV, BATCH), jnp.float32),
            pltpu.VMEM((NV, BATCH), jnp.float32),
            pltpu.SemaphoreType.DMA,
            pltpu.SemaphoreType.DMA,
            pltpu.SemaphoreType.DMA,
            pltpu.SemaphoreType.DMA,
        ],
    )
    def kern(ind_hbm, tbl_hbm, out_hbm, tblk, idx_a, idx_b, buf_a, buf_b,
             isem_a, isem_b, ssem_a, ssem_b):
        wid = lax.axis_index("s") * NC + lax.axis_index("c")
        v0 = pl.multiple_of(jnp.minimum(wid * NV, V0_CAP), 8)
        idxs = (idx_a, idx_b)
        isems = (isem_a, isem_b)
        bufs = (buf_a, buf_b)
        ssems = (ssem_a, ssem_b)

        pltpu.async_copy(ind_hbm.at[0], idx_a, isem_a)
        pltpu.sync_copy(tbl_hbm.at[pl.ds(v0, NV)], tblk)
        row_ids = [jnp.full((LANES,), v, jnp.int32) for v in range(NV)]

        def pair(i, _):
            for p in range(2):
                s = 2 * i + p
                idx_v, isem = idxs[p], isems[p]
                buf, ssem = bufs[p], ssems[p]
                pltpu.make_async_copy(ind_hbm.at[0], idx_v, isem).wait()

                @pl.when(s + 1 < SEQ)
                def _():
                    pltpu.async_copy(ind_hbm.at[s + 1], idxs[1 - p],
                                     isems[1 - p])

                @pl.when(s >= 2)
                def _():
                    pltpu.make_async_copy(
                        buf, out_hbm.at[0, pl.ds(v0, NV)], ssem).wait()

                @plsc.parallel_loop(0, NK, unroll=2)
                def chunk(k):
                    c = pl.multiple_of(k * LANES, LANES)
                    vidx = idx_v[pl.ds(c, LANES)]
                    for v0b in range(0, NV, 8):
                        gs = [plsc.load_gather(tblk, [row_ids[v], vidx])
                              for v in range(v0b, v0b + 8)]
                        for v, g in zip(range(v0b, v0b + 8), gs):
                            buf[v, pl.ds(c, LANES)] = g
                pltpu.async_copy(buf, out_hbm.at[s, pl.ds(v0, NV)], ssem)

            return 0

        lax.fori_loop(0, SEQ // 2, pair, 0)
        pltpu.make_async_copy(buf_a, out_hbm.at[0, pl.ds(v0, NV)],
                              ssem_a).wait()
        pltpu.make_async_copy(buf_b, out_hbm.at[0, pl.ds(v0, NV)],
                              ssem_b).wait()

    return kern(ind_t, table_t)


def kernel(idx, table):
    table_t = jnp.pad(table.T, ((0, 0), (0, BATCH - VOCAB)))
    ind_t = idx.astype(jnp.int32).T
    out3 = _sc_transpose_gather(ind_t, table_t)
    return out3.transpose(2, 0, 1)

# --- scband reference (transcript-rebuilt; emitter-appended) ---
"""Pipeline reference for scband-bigram-model-70274254897331 (READ-ONLY COPY).

The authoritative reference and input builder live on the scoring server;
editing this copy changes nothing except your own understanding.
"""

import jax, jax.numpy as jnp
import numpy as np

VOCAB = 1000
BATCH = 1024
SEQ = 50

def setup_inputs(seed: int = 0) -> dict:
    key = jax.random.key(seed)
    k_idx, k_tab = jax.random.split(key)
    idx = jax.random.randint(k_idx, (BATCH, SEQ), 0, VOCAB, dtype=jnp.int64 if jax.config.jax_enable_x64 else jnp.int32)
    table = jax.random.normal(k_tab, (VOCAB, VOCAB), dtype=jnp.float32)
    return {"idx": idx, "table": table}

def reference(idx, table):
    # nn.Embedding lookup: logits = token_embedding_table(idx)
    logits = jnp.take(table, idx, axis=0)
    return logits

if __name__ == "__main__":
    import jax
    _d = setup_inputs()
    print(jax.jit(kernel)(*tuple(_d.values())))

</pallas_src>

<mosaic_0001>
#map = affine_map<(d0, d1) -> (0, 0)>
#map1 = affine_map<(d0, d1) -> (0, 0, 0)>
module attributes {stable_mosaic.version = 14 : i64} {
  func.func @kern(%arg0: i32, %arg1: i32, %arg2: memref<50x1024xi32, #tpu.memory_space<hbm>>, %arg3: memref<1000x1024xf32, #tpu.memory_space<hbm>>, %arg4: memref<50x1000x1024xf32, #tpu.memory_space<hbm>>, %arg5: memref<32x1024xf32, #tpu.memory_space<vmem>>, %arg6: memref<1024xi32, #tpu.memory_space<vmem>>, %arg7: memref<1024xi32, #tpu.memory_space<vmem>>, %arg8: memref<32x1024xf32, #tpu.memory_space<vmem>>, %arg9: memref<32x1024xf32, #tpu.memory_space<vmem>>, %arg10: memref<!tpu.dma_semaphore, #tpu.memory_space<semaphore_mem>>, %arg11: memref<!tpu.dma_semaphore, #tpu.memory_space<semaphore_mem>>, %arg12: memref<!tpu.dma_semaphore, #tpu.memory_space<semaphore_mem>>, %arg13: memref<!tpu.dma_semaphore, #tpu.memory_space<semaphore_mem>>) attributes {dimension_semantics = [#tpu.dimension_semantics<core_parallel>, #tpu.dimension_semantics<subcore_parallel>], iteration_bounds = array<i64: 2, 16>, scalar_prefetch = 0 : i64, scratch_operands = 9 : i64, tpu.core_type = #tpu.core_type<sc_vector_subcore>, window_params = [{transform_indices = #map}, {transform_indices = #map}, {transform_indices = #map1}]} {
    %mul3A = arith.constant 2 : i32
    %mul3A_0 = arith.muli %arg1, %mul3A : i32
    %add3A = arith.addi %mul3A_0, %arg0 : i32
    %mul3A_1 = arith.constant 32 : i32
    %mul3A_2 = arith.muli %add3A, %mul3A_1 : i32
    %min3A = arith.constant 968 : i32
    %min3A_3 = arith.minsi %mul3A_2, %min3A : i32
    %multiple_of3A = tpu.assume_multiple %min3A_3, 8 : i32
    %dma_start3A = arith.constant 0 : i32
    %dma_start3A_4 = arith.constant 0 : i32
    %dma_start3A_5 = tpu.memref_slice %arg2[%dma_start3A, %dma_start3A_4] : memref<50x1024xi32, #tpu.memory_space<hbm>> -> memref<1x1024xi32, #tpu.memory_space<hbm>>
    %dma_start3A_6 = tpu.memref_squeeze %dma_start3A_5 : memref<1x1024xi32, #tpu.memory_space<hbm>> -> memref<1024xi32, #tpu.memory_space<hbm>>
    %dma_start3A_7 = arith.constant 0 : i32
    %dma_start3A_8 = tpu.memref_slice %arg2[%dma_start3A, %dma_start3A_7] : memref<50x1024xi32, #tpu.memory_space<hbm>> -> memref<1x1024xi32, #tpu.memory_space<hbm>>
    %dma_start3A_9 = tpu.memref_squeeze %dma_start3A_8 : memref<1x1024xi32, #tpu.memory_space<hbm>> -> memref<1024xi32, #tpu.memory_space<hbm>>
    tpu.enqueue_dma source(%dma_start3A_9 : memref<1024xi32, #tpu.memory_space<hbm>>) target(%arg6 : memref<1024xi32, #tpu.memory_space<vmem>>) target_semaphore(%arg10 : memref<!tpu.dma_semaphore, #tpu.memory_space<semaphore_mem>>)
    "tpu.region"() ({
      %run_scoped3A = tpu.sem_alloc : memref<!tpu.dma_semaphore, #tpu.memory_space<semaphore_mem>>
      %dma_start3A_92 = arith.constant 0 : i32
      %dma_start3A_93 = tpu.memref_slice %arg3[%multiple_of3A, %dma_start3A_92] : memref<1000x1024xf32, #tpu.memory_space<hbm>> -> memref<32x1024xf32, #tpu.memory_space<hbm>>
      %dma_start3A_94 = arith.constant 0 : i32
      %dma_start3A_95 = tpu.memref_slice %arg3[%multiple_of3A, %dma_start3A_94] : memref<1000x1024xf32, #tpu.memory_space<hbm>> -> memref<32x1024xf32, #tpu.memory_space<hbm>>
      tpu.enqueue_dma source(%dma_start3A_95 : memref<32x1024xf32, #tpu.memory_space<hbm>>) target(%arg5 : memref<32x1024xf32, #tpu.memory_space<vmem>>) target_semaphore(%run_scoped3A : memref<!tpu.dma_semaphore, #tpu.memory_space<semaphore_mem>>)
      %dma_wait3A_96 = arith.constant 0 : i32
      %dma_wait3A_97 = tpu.memref_slice %arg3[%multiple_of3A, %dma_wait3A_96] : memref<1000x1024xf32, #tpu.memory_space<hbm>> -> memref<32x1024xf32, #tpu.memory_space<hbm>>
      %dma_wait3A_98 = arith.constant 0 : i32
      %dma_wait3A_99 = tpu.memref_slice %arg3[%multiple_of3A, %dma_wait3A_98] : memref<1000x1024xf32, #tpu.memory_space<hbm>> -> memref<32x1024xf32, #tpu.memory_space<hbm>>
      tpu.wait_dma2 semaphore(%run_scoped3A : memref<!tpu.dma_semaphore, #tpu.memory_space<semaphore_mem>>) src(%dma_wait3A_99 : memref<32x1024xf32, #tpu.memory_space<hbm>>) dst(%arg5 : memref<32x1024xf32, #tpu.memory_space<vmem>>)
      tpu.yield
    }) : () -> ()
    %broadcast_in_dim3A = arith.constant 0 : i32
    %broadcast_in_dim3A_10 = vector.broadcast %broadcast_in_dim3A : i32 to vector<16xi32>
    %broadcast_in_dim3A_11 = arith.constant 1 : i32
    %broadcast_in_dim3A_12 = vector.broadcast %broadcast_in_dim3A_11 : i32 to vector<16xi32>
    %broadcast_in_dim3A_13 = arith.constant 2 : i32
    %broadcast_in_dim3A_14 = vector.broadcast %broadcast_in_dim3A_13 : i32 to vector<16xi32>
    %broadcast_in_dim3A_15 = arith.constant 3 : i32
    %broadcast_in_dim3A_16 = vector.broadcast %broadcast_in_dim3A_15 : i32 to vector<16xi32>
    %broadcast_in_dim3A_17 = arith.constant 4 : i32
    %broadcast_in_dim3A_18 = vector.broadcast %broadcast_in_dim3A_17 : i32 to vector<16xi32>
    %broadcast_in_dim3A_19 = arith.constant 5 : i32
    %broadcast_in_dim3A_20 = vector.broadcast %broadcast_in_dim3A_19 : i32 to vector<16xi32>
    %broadcast_in_dim3A_21 = arith.constant 6 : i32
    %broadcast_in_dim3A_22 = vector.broadcast %broadcast_in_dim3A_21 : i32 to vector<16xi32>
    %broadcast_in_dim3A_23 = arith.constant 7 : i32
    %broadcast_in_dim3A_24 = vector.broadcast %broadcast_in_dim3A_23 : i32 to vector<16xi32>
    %broadcast_in_dim3A_25 = arith.constant 8 : i32
    %broadcast_in_dim3A_26 = vector.broadcast %broadcast_in_dim3A_25 : i32 to vector<16xi32>
    %broadcast_in_dim3A_27 = arith.constant 9 : i32
    %broadcast_in_dim3A_28 = vector.broadcast %broadcast_in_dim3A_27 : i32 to vector<16xi32>
    %broadcast_in_dim3A_29 = arith.constant 10 : i32
    %broadcast_in_dim3A_30 = vector.broadcast %broadcast_in_dim3A_29 : i32 to vector<16xi32>
    %broadcast_in_dim3A_31 = arith.constant 11 : i32
    %broadcast_in_dim3A_32 = vector.broadcast %broadcast_in_dim3A_31 : i32 to vector<16xi32>
    %broadcast_in_dim3A_33 = arith.constant 12 : i32
    %broadcast_in_dim3A_34 = vector.broadcast %broadcast_in_dim3A_33 : i32 to vector<16xi32>
    %broadcast_in_dim3A_35 = arith.constant 13 : i32
    %broadcast_in_dim3A_36 = vector.broadcast %broadcast_in_dim3A_35 : i32 to vector<16xi32>
    %broadcast_in_dim3A_37 = arith.constant 14 : i32
    %broadcast_in_dim3A_38 = vector.broadcast %broadcast_in_dim3A_37 : i32 to vector<16xi32>
    %broadcast_in_dim3A_39 = arith.constant 15 : i32
    %broadcast_in_dim3A_40 = vector.broadcast %broadcast_in_dim3A_39 : i32 to vector<16xi32>
    %broadcast_in_dim3A_41 = arith.constant 16 : i32
    %broadcast_in_dim3A_42 = vector.broadcast %broadcast_in_dim3A_41 : i32 to vector<16xi32>
    %broadcast_in_dim3A_43 = arith.constant 17 : i32
    %broadcast_in_dim3A_44 = vector.broadcast %broadcast_in_dim3A_43 : i32 to vector<16xi32>
    %broadcast_in_dim3A_45 = arith.constant 18 : i32
    %broadcast_in_dim3A_46 = vector.broadcast %broadcast_in_dim3A_45 : i32 to vector<16xi32>
    %broadcast_in_dim3A_47 = arith.constant 19 : i32
    %broadcast_in_dim3A_48 = vector.broadcast %broadcast_in_dim3A_47 : i32 to vector<16xi32>
    %broadcast_in_dim3A_49 = arith.constant 20 : i32
    %broadcast_in_dim3A_50 = vector.broadcast %broadcast_in_dim3A_49 : i32 to vector<16xi32>
    %broadcast_in_dim3A_51 = arith.constant 21 : i32
    %broadcast_in_dim3A_52 = vector.broadcast %broadcast_in_dim3A_51 : i32 to vector<16xi32>
    %broadcast_in_dim3A_53 = arith.constant 22 : i32
    %broadcast_in_dim3A_54 = vector.broadcast %broadcast_in_dim3A_53 : i32 to vector<16xi32>
    %broadcast_in_dim3A_55 = arith.constant 23 : i32
    %broadcast_in_dim3A_56 = vector.broadcast %broadcast_in_dim3A_55 : i32 to vector<16xi32>
    %broadcast_in_dim3A_57 = arith.constant 24 : i32
    %broadcast_in_dim3A_58 = vector.broadcast %broadcast_in_dim3A_57 : i32 to vector<16xi32>
    %broadcast_in_dim3A_59 = arith.constant 25 : i32
    %broadcast_in_dim3A_60 = vector.broadcast %broadcast_in_dim3A_59 : i32 to vector<16xi32>
    %broadcast_in_dim3A_61 = arith.constant 26 : i32
    %broadcast_in_dim3A_62 = vector.broadcast %broadcast_in_dim3A_61 : i32 to vector<16xi32>
    %broadcast_in_dim3A_63 = arith.constant 27 : i32
    %broadcast_in_dim3A_64 = vector.broadcast %broadcast_in_dim3A_63 : i32 to vector<16xi32>
    %broadcast_in_dim3A_65 = arith.constant 28 : i32
    %broadcast_in_dim3A_66 = vector.broadcast %broadcast_in_dim3A_65 : i32 to vector<16xi32>
    %broadcast_in_dim3A_67 = arith.constant 29 : i32
    %broadcast_in_dim3A_68 = vector.broadcast %broadcast_in_dim3A_67 : i32 to vector<16xi32>
    %broadcast_in_dim3A_69 = arith.constant 30 : i32
    %broadcast_in_dim3A_70 = vector.broadcast %broadcast_in_dim3A_69 : i32 to vector<16xi32>
    %broadcast_in_dim3A_71 = arith.constant 31 : i32
    %broadcast_in_dim3A_72 = vector.broadcast %broadcast_in_dim3A_71 : i32 to vector<16xi32>
    %scan3A = arith.constant 0 : i32
    %scan3A_73 = arith.constant 0 : i32
    %scan3A_74 = arith.constant 25 : i32
    %scan3A_75 = arith.addi %scan3A_73, %scan3A_74 : i32
    %scan3A_76 = arith.constant 1 : i32
    %scan3A_77 = scf.for %scan3A_92 = %scan3A_73 to %scan3A_75 step %scan3A_76 iter_args(%scan3A_93 = %scan3A) -> (i32)  : i32 {
      %mul3A_94 = arith.constant 2 : i32
      %mul3A_95 = arith.muli %mul3A_94, %scan3A_92 : i32
      %add3A_96 = arith.constant 0 : i32
      %add3A_97 = arith.addi %mul3A_95, %add3A_96 : i32
      %dma_wait3A_98 = arith.constant 0 : i32
      %dma_wait3A_99 = arith.constant 0 : i32
      %dma_wait3A_100 = tpu.memref_slice %arg2[%dma_wait3A_98, %dma_wait3A_99] : memref<50x1024xi32, #tpu.memory_space<hbm>> -> memref<1x1024xi32, #tpu.memory_space<hbm>>
      %dma_wait3A_101 = tpu.memref_squeeze %dma_wait3A_100 : memref<1x1024xi32, #tpu.memory_space<hbm>> -> memref<1024xi32, #tpu.memory_space<hbm>>
      %dma_wait3A_102 = arith.constant 0 : i32
      %dma_wait3A_103 = tpu.memref_slice %arg2[%dma_wait3A_98, %dma_wait3A_102] : memref<50x1024xi32, #tpu.memory_space<hbm>> -> memref<1x1024xi32, #tpu.memory_space<hbm>>
      %dma_wait3A_104 = tpu.memref_squeeze %dma_wait3A_103 : memref<1x1024xi32, #tpu.memory_space<hbm>> -> memref<1024xi32, #tpu.memory_space<hbm>>
      tpu.wait_dma2 semaphore(%arg10 : memref<!tpu.dma_semaphore, #tpu.memory_space<semaphore_mem>>) src(%dma_wait3A_104 : memref<1024xi32, #tpu.memory_space<hbm>>) dst(%arg6 : memref<1024xi32, #tpu.memory_space<vmem>>)
      %add3A_105 = arith.constant 1 : i32
      %add3A_106 = arith.addi %add3A_97, %add3A_105 : i32
      %lt3A = arith.constant 50 : i32
      %lt3A_107 = arith.cmpi slt, %add3A_106, %lt3A : i32
      %convert_element_type3A = arith.extui %lt3A_107 : i1 to i32
      %cond3A = arith.constant 0 : i32
      %cond3A_108 = arith.cmpi ne, %convert_element_type3A, %cond3A : i32
      scf.if %cond3A_108 {
        %add3A_154 = arith.constant 1 : i32
        %add3A_155 = arith.addi %add3A_97, %add3A_154 : i32
        %dma_start3A_156 = arith.constant 0 : i32
        %dma_start3A_157 = tpu.memref_slice %arg2[%add3A_155, %dma_start3A_156] : memref<50x1024xi32, #tpu.memory_space<hbm>> -> memref<1x1024xi32, #tpu.memory_space<hbm>>
        %dma_start3A_158 = tpu.memref_squeeze %dma_start3A_157 : memref<1x1024xi32, #tpu.memory_space<hbm>> -> memref<1024xi32, #tpu.memory_space<hbm>>
        %dma_start3A_159 = arith.constant 0 : i32
        %dma_start3A_160 = tpu.memref_slice %arg2[%add3A_155, %dma_start3A_159] : memref<50x1024xi32, #tpu.memory_space<hbm>> -> memref<1x1024xi32, #tpu.memory_space<hbm>>
        %dma_start3A_161 = tpu.memref_squeeze %dma_start3A_160 : memref<1x1024xi32, #tpu.memory_space<hbm>> -> memref<1024xi32, #tpu.memory_space<hbm>>
        tpu.enqueue_dma source(%dma_start3A_161 : memref<1024xi32, #tpu.memory_space<hbm>>) target(%arg7 : memref<1024xi32, #tpu.memory_space<vmem>>) target_semaphore(%arg11 : memref<!tpu.dma_semaphore, #tpu.memory_space<semaphore_mem>>)
      } else {
      }
      %ge3A = arith.constant 2 : i32
      %ge3A_109 = arith.cmpi sge, %add3A_97, %ge3A : i32
      %convert_element_type3A_110 = arith.extui %ge3A_109 : i1 to i32
      %cond3A_111 = arith.constant 0 : i32
      %cond3A_112 = arith.cmpi ne, %convert_element_type3A_110, %cond3A_111 : i32
      scf.if %cond3A_112 {
        %dma_wait3A_154 = arith.constant 0 : i32
        %dma_wait3A_155 = arith.constant 0 : i32
        %dma_wait3A_156 = tpu.memref_slice %arg4[%dma_wait3A_154, %multiple_of3A, %dma_wait3A_155] : memref<50x1000x1024xf32, #tpu.memory_space<hbm>> -> memref<1x32x1024xf32, #tpu.memory_space<hbm>>
        %dma_wait3A_157 = tpu.memref_squeeze %dma_wait3A_156 : memref<1x32x1024xf32, #tpu.memory_space<hbm>> -> memref<32x1024xf32, #tpu.memory_space<hbm>>
        %dma_wait3A_158 = arith.constant 0 : i32
        %dma_wait3A_159 = tpu.memref_slice %arg4[%dma_wait3A_154, %multiple_of3A, %dma_wait3A_158] : memref<50x1000x1024xf32, #tpu.memory_space<hbm>> -> memref<1x32x1024xf32, #tpu.memory_space<hbm>>
        %dma_wait3A_160 = tpu.memref_squeeze %dma_wait3A_159 : memref<1x32x1024xf32, #tpu.memory_space<hbm>> -> memref<32x1024xf32, #tpu.memory_space<hbm>>
        tpu.wait_dma2 semaphore(%arg12 : memref<!tpu.dma_semaphore, #tpu.memory_space<semaphore_mem>>) src(%arg8 : memref<32x1024xf32, #tpu.memory_space<vmem>>) dst(%dma_wait3A_160 : memref<32x1024xf32, #tpu.memory_space<hbm>>)
      } else {
      }
      %parallel_loop3A = arith.constant 0 : i32
      %parallel_loop3A_113 = arith.constant 64 : i32
      %parallel_loop3A_114 = arith.constant 1 : i32
      scf.for %parallel_loop3A_154 = %parallel_loop3A to %parallel_loop3A_113 step %parallel_loop3A_114  : i32 {
        %parallel_loop3A_155 = arith.constant 16 : i32
        %parallel_loop3A_156 = arith.muli %parallel_loop3A_154, %parallel_loop3A_155 : i32
        %parallel_loop3A_157 = tpu.assume_multiple %parallel_loop3A_156, 16 : i32
        %parallel_loop3A_158 = arith.index_cast %parallel_loop3A_157 : i32 to index
        %parallel_loop3A_159 = tpu.vector_load %arg6[%parallel_loop3A_158] {strides = array<i32>} : memref<1024xi32, #tpu.memory_space<vmem>>, vector<16xi32>,
        %parallel_loop3A_160 = tpu.vector_load_idx %arg5[%broadcast_in_dim3A_10, %parallel_loop3A_159] : memref<32x1024xf32, #tpu.memory_space<vmem>>[vector<16xi32>, vector<16xi32>], vector<16xf32>,
        %parallel_loop3A_161 = tpu.vector_load_idx %arg5[%broadcast_in_dim3A_12, %parallel_loop3A_159] : memref<32x1024xf32, #tpu.memory_space<vmem>>[vector<16xi32>, vector<16xi32>], vector<16xf32>,
        %parallel_loop3A_162 = tpu.vector_load_idx %arg5[%broadcast_in_dim3A_14, %parallel_loop3A_159] : memref<32x1024xf32, #tpu.memory_space<vmem>>[vector<16xi32>, vector<16xi32>], vector<16xf32>,
        %parallel_loop3A_163 = tpu.vector_load_idx %arg5[%broadcast_in_dim3A_16, %parallel_loop3A_159] : memref<32x1024xf32, #tpu.memory_space<vmem>>[vector<16xi32>, vector<16xi32>], vector<16xf32>,
        %parallel_loop3A_164 = tpu.vector_load_idx %arg5[%broadcast_in_dim3A_18, %parallel_loop3A_159] : memref<32x1024xf32, #tpu.memory_space<vmem>>[vector<16xi32>, vector<16xi32>], vector<16xf32>,
        %parallel_loop3A_165 = tpu.vector_load_idx %arg5[%broadcast_in_dim3A_20, %parallel_loop3A_159] : memref<32x1024xf32, #tpu.memory_space<vmem>>[vector<16xi32>, vector<16xi32>], vector<16xf32>,
        %parallel_loop3A_166 = tpu.vector_load_idx %arg5[%broadcast_in_dim3A_22, %parallel_loop3A_159] : memref<32x1024xf32, #tpu.memory_space<vmem>>[vector<16xi32>, vector<16xi32>], vector<16xf32>,
        %parallel_loop3A_167 = tpu.vector_load_idx %arg5[%broadcast_in_dim3A_24, %parallel_loop3A_159] : memref<32x1024xf32, #tpu.memory_space<vmem>>[vector<16xi32>, vector<16xi32>], vector<16xf32>,
        %parallel_loop3A_168 = arith.constant 0 : i32
        %parallel_loop3A_169 = arith.index_cast %parallel_loop3A_168 : i32 to index
        %parallel_loop3A_170 = arith.index_cast %parallel_loop3A_157 : i32 to index
        %parallel_loop3A_171 = tpu.vector_load %arg8[%parallel_loop3A_169, %parallel_loop3A_170] {strides = array<i32>} : memref<32x1024xf32, #tpu.memory_space<vmem>>, vector<16xf32>,
        tpu.vector_store %arg8[%parallel_loop3A_169, %parallel_loop3A_170], %parallel_loop3A_160 {strides = array<i32>} : memref<32x1024xf32, #tpu.memory_space<vmem>>, vector<16xf32>,
        %parallel_loop3A_172 = arith.constant 1 : i32
        %parallel_loop3A_173 = arith.index_cast %parallel_loop3A_172 : i32 to index
        %parallel_loop3A_174 = arith.index_cast %parallel_loop3A_157 : i32 to index
        %parallel_loop3A_175 = tpu.vector_load %arg8[%parallel_loop3A_173, %parallel_loop3A_174] {strides = array<i32>} : memref<32x1024xf32, #tpu.memory_space<vmem>>, vector<16xf32>,
        tpu.vector_store %arg8[%parallel_loop3A_173, %parallel_loop3A_174], %parallel_loop3A_161 {strides = array<i32>} : memref<32x1024xf32, #tpu.memory_space<vmem>>, vector<16xf32>,
        %parallel_loop3A_176 = arith.constant 2 : i32
        %parallel_loop3A_177 = arith.index_cast %parallel_loop3A_176 : i32 to index
        %parallel_loop3A_178 = arith.index_cast %parallel_loop3A_157 : i32 to index
        %parallel_loop3A_179 = tpu.vector_load %arg8[%parallel_loop3A_177, %parallel_loop3A_178] {strides = array<i32>} : memref<32x1024xf32, #tpu.memory_space<vmem>>, vector<16xf32>,
        tpu.vector_store %arg8[%parallel_loop3A_177, %parallel_loop3A_178], %parallel_loop3A_162 {strides = array<i32>} : memref<32x1024xf32, #tpu.memory_space<vmem>>, vector<16xf32>,
        %parallel_loop3A_180 = arith.constant 3 : i32
        %parallel_loop3A_181 = arith.index_cast %parallel_loop3A_180 : i32 to index
        %parallel_loop3A_182 = arith.index_cast %parallel_loop3A_157 : i32 to index
        %parallel_loop3A_183 = tpu.vector_load %arg8[%parallel_loop3A_181, %parallel_loop3A_182] {strides = array<i32>} : memref<32x1024xf32, #tpu.memory_space<vmem>>, vector<16xf32>,
        tpu.vector_store %arg8[%parallel_loop3A_181, %parallel_loop3A_182], %parallel_loop3A_163 {strides = array<i32>} : memref<32x1024xf32, #tpu.memory_space<vmem>>, vector<16xf32>,
        %parallel_loop3A_184 = arith.constant 4 : i32
        %parallel_loop3A_185 = arith.index_cast %parallel_loop3A_184 : i32 to index
        %parallel_loop3A_186 = arith.index_cast %parallel_loop3A_157 : i32 to index
        %parallel_loop3A_187 = tpu.vector_load %arg8[%parallel_loop3A_185, %parallel_loop3A_186] {strides = array<i32>} : memref<32x1024xf32, #tpu.memory_space<vmem>>, vector<16xf32>,
        tpu.vector_store %arg8[%parallel_loop3A_185, %parallel_loop3A_186], %parallel_loop3A_164 {strides = array<i32>} : memref<32x1024xf32, #tpu.memory_space<vmem>>, vector<16xf32>,
        %parallel_loop3A_188 = arith.constant 5 : i32
        %parallel_loop3A_189 = arith.index_cast %parallel_loop3A_188 : i32 to index
        %parallel_loop3A_190 = arith.index_cast %parallel_loop3A_157 : i32 to index
        %parallel_loop3A_191 = tpu.vector_load %arg8[%parallel_loop3A_189, %parallel_loop3A_190] {strides = array<i32>} : memref<32x1024xf32, #tpu.memory_space<vmem>>, vector<16xf32>,
        tpu.vector_store %arg8[%parallel_loop3A_189, %parallel_loop3A_190], %parallel_loop3A_165 {strides = array<i32>} : memref<32x1024xf32, #tpu.memory_space<vmem>>, vector<16xf32>,
        %parallel_loop3A_192 = arith.constant 6 : i32
        %parallel_loop3A_193 = arith.index_cast %parallel_loop3A_192 : i32 to index
        %parallel_loop3A_194 = arith.index_cast %parallel_loop3A_157 : i32 to index
        %parallel_loop3A_195 = tpu.vector_load %arg8[%parallel_loop3A_193, %parallel_loop3A_194] {strides = array<i32>} : memref<32x1024xf32, #tpu.memory_space<vmem>>, vector<16xf32>,
        tpu.vector_store %arg8[%parallel_loop3A_193, %parallel_loop3A_194], %parallel_loop3A_166 {strides = array<i32>} : memref<32x1024xf32, #tpu.memory_space<vmem>>, vector<16xf32>,
        %parallel_loop3A_196 = arith.constant 7 : i32
        %parallel_loop3A_197 = arith.index_cast %parallel_loop3A_196 : i32 to index
        %parallel_loop3A_198 = arith.index_cast %parallel_loop3A_157 : i32 to index
        %parallel_loop3A_199 = tpu.vector_load %arg8[%parallel_loop3A_197, %parallel_loop3A_198] {strides = array<i32>} : memref<32x1024xf32, #tpu.memory_space<vmem>>, vector<16xf32>,
        tpu.vector_store %arg8[%parallel_loop3A_197, %parallel_loop3A_198], %parallel_loop3A_167 {strides = array<i32>} : memref<32x1024xf32, #tpu.memory_space<vmem>>, vector<16xf32>,
        %parallel_loop3A_200 = tpu.vector_load_idx %arg5[%broadcast_in_dim3A_26, %parallel_loop3A_159] : memref<32x1024xf32, #tpu.memory_space<vmem>>[vector<16xi32>, vector<16xi32>], vector<16xf32>,
        %parallel_loop3A_201 = tpu.vector_load_idx %arg5[%broadcast_in_dim3A_28, %parallel_loop3A_159] : memref<32x1024xf32, #tpu.memory_space<vmem>>[vector<16xi32>, vector<16xi32>], vector<16xf32>,
        %parallel_loop3A_202 = tpu.vector_load_idx %arg5[%broadcast_in_dim3A_30, %parallel_loop3A_159] : memref<32x1024xf32, #tpu.memory_space<vmem>>[vector<16xi32>, vector<16xi32>], vector<16xf32>,
        %parallel_loop3A_203 = tpu.vector_load_idx %arg5[%broadcast_in_dim3A_32, %parallel_loop3A_159] : memref<32x1024xf32, #tpu.memory_space<vmem>>[vector<16xi32>, vector<16xi32>], vector<16xf32>,
        %parallel_loop3A_204 = tpu.vector_load_idx %arg5[%broadcast_in_dim3A_34, %parallel_loop3A_159] : memref<32x1024xf32, #tpu.memory_space<vmem>>[vector<16xi32>, vector<16xi32>], vector<16xf32>,
        %parallel_loop3A_205 = tpu.vector_load_idx %arg5[%broadcast_in_dim3A_36, %parallel_loop3A_159] : memref<32x1024xf32, #tpu.memory_space<vmem>>[vector<16xi32>, vector<16xi32>], vector<16xf32>,
        %parallel_loop3A_206 = tpu.vector_load_idx %arg5[%broadcast_in_dim3A_38, %parallel_loop3A_159] : memref<32x1024xf32, #tpu.memory_space<vmem>>[vector<16xi32>, vector<16xi32>], vector<16xf32>,
        %parallel_loop3A_207 = tpu.vector_load_idx %arg5[%broadcast_in_dim3A_40, %parallel_loop3A_159] : memref<32x1024xf32, #tpu.memory_space<vmem>>[vector<16xi32>, vector<16xi32>], vector<16xf32>,
        %parallel_loop3A_208 = arith.constant 8 : i32
        %parallel_loop3A_209 = arith.index_cast %parallel_loop3A_208 : i32 to index
        %parallel_loop3A_210 = arith.index_cast %parallel_loop3A_157 : i32 to index
        %parallel_loop3A_211 = tpu.vector_load %arg8[%parallel_loop3A_209, %parallel_loop3A_210] {strides = array<i32>} : memref<32x1024xf32, #tpu.memory_space<vmem>>, vector<16xf32>,
        tpu.vector_store %arg8[%parallel_loop3A_209, %parallel_loop3A_210], %parallel_loop3A_200 {strides = array<i32>} : memref<32x1024xf32, #tpu.memory_space<vmem>>, vector<16xf32>,
        %parallel_loop3A_212 = arith.constant 9 : i32
        %parallel_loop3A_213 = arith.index_cast %parallel_loop3A_212 : i32 to index
        %parallel_loop3A_214 = arith.index_cast %parallel_loop3A_157 : i32 to index
        %parallel_loop3A_215 = tpu.vector_load %arg8[%parallel_loop3A_213, %parallel_loop3A_214] {strides = array<i32>} : memref<32x1024xf32, #tpu.memory_space<vmem>>, vector<16xf32>,
        tpu.vector_store %arg8[%parallel_loop3A_213, %parallel_loop3A_214], %parallel_loop3A_201 {strides = array<i32>} : memref<32x1024xf32, #tpu.memory_space<vmem>>, vector<16xf32>,
        %parallel_loop3A_216 = arith.constant 10 : i32
        %parallel_loop3A_217 = arith.index_cast %parallel_loop3A_216 : i32 to index
        %parallel_loop3A_218 = arith.index_cast %parallel_loop3A_157 : i32 to index
        %parallel_loop3A_219 = tpu.vector_load %arg8[%parallel_loop3A_217, %parallel_loop3A_218] {strides = array<i32>} : memref<32x1024xf32, #tpu.memory_space<vmem>>, vector<16xf32>,
        tpu.vector_store %arg8[%parallel_loop3A_217, %parallel_loop3A_218], %parallel_loop3A_202 {strides = array<i32>} : memref<32x1024xf32, #tpu.memory_space<vmem>>, vector<16xf32>,
        %parallel_loop3A_220 = arith.constant 11 : i32
        %parallel_loop3A_221 = arith.index_cast %parallel_loop3A_220 : i32 to index
        %parallel_loop3A_222 = arith.index_cast %parallel_loop3A_157 : i32 to index
        %parallel_loop3A_223 = tpu.vector_load %arg8[%parallel_loop3A_221, %parallel_loop3A_222] {strides = array<i32>} : memref<32x1024xf32, #tpu.memory_space<vmem>>, vector<16xf32>,
        tpu.vector_store %arg8[%parallel_loop3A_221, %parallel_loop3A_222], %parallel_loop3A_203 {strides = array<i32>} : memref<32x1024xf32, #tpu.memory_space<vmem>>, vector<16xf32>,
        %parallel_loop3A_224 = arith.constant 12 : i32
        %parallel_loop3A_225 = arith.index_cast %parallel_loop3A_224 : i32 to index
        %parallel_loop3A_226 = arith.index_cast %parallel_loop3A_157 : i32 to index
        %parallel_loop3A_227 = tpu.vector_load %arg8[%parallel_loop3A_225, %parallel_loop3A_226] {strides = array<i32>} : memref<32x1024xf32, #tpu.memory_space<vmem>>, vector<16xf32>,
        tpu.vector_store %arg8[%parallel_loop3A_225, %parallel_loop3A_226], %parallel_loop3A_204 {strides = array<i32>} : memref<32x1024xf32, #tpu.memory_space<vmem>>, vector<16xf32>,
        %parallel_loop3A_228 = arith.constant 13 : i32
        %parallel_loop3A_229 = arith.index_cast %parallel_loop3A_228 : i32 to index
        %parallel_loop3A_230 = arith.index_cast %parallel_loop3A_157 : i32 to index
        %parallel_loop3A_231 = tpu.vector_load %arg8[%parallel_loop3A_229, %parallel_loop3A_230] {strides = array<i32>} : memref<32x1024xf32, #tpu.memory_space<vmem>>, vector<16xf32>,
        tpu.vector_store %arg8[%parallel_loop3A_229, %parallel_loop3A_230], %parallel_loop3A_205 {strides = array<i32>} : memref<32x1024xf32, #tpu.memory_space<vmem>>, vector<16xf32>,
        %parallel_loop3A_232 = arith.constant 14 : i32
        %parallel_loop3A_233 = arith.index_cast %parallel_loop3A_232 : i32 to index
        %parallel_loop3A_234 = arith.index_cast %parallel_loop3A_157 : i32 to index
        %parallel_loop3A_235 = tpu.vector_load %arg8[%parallel_loop3A_233, %parallel_loop3A_234] {strides = array<i32>} : memref<32x1024xf32, #tpu.memory_space<vmem>>, vector<16xf32>,
        tpu.vector_store %arg8[%parallel_loop3A_233, %parallel_loop3A_234], %parallel_loop3A_206 {strides = array<i32>} : memref<32x1024xf32, #tpu.memory_space<vmem>>, vector<16xf32>,
        %parallel_loop3A_236 = arith.constant 15 : i32
        %parallel_loop3A_237 = arith.index_cast %parallel_loop3A_236 : i32 to index
        %parallel_loop3A_238 = arith.index_cast %parallel_loop3A_157 : i32 to index
        %parallel_loop3A_239 = tpu.vector_load %arg8[%parallel_loop3A_237, %parallel_loop3A_238] {strides = array<i32>} : memref<32x1024xf32, #tpu.memory_space<vmem>>, vector<16xf32>,
        tpu.vector_store %arg8[%parallel_loop3A_237, %parallel_loop3A_238], %parallel_loop3A_207 {strides = array<i32>} : memref<32x1024xf32, #tpu.memory_space<vmem>>, vector<16xf32>,
        %parallel_loop3A_240 = tpu.vector_load_idx %arg5[%broadcast_in_dim3A_42, %parallel_loop3A_159] : memref<32x1024xf32, #tpu.memory_space<vmem>>[vector<16xi32>, vector<16xi32>], vector<16xf32>,
        %parallel_loop3A_241 = tpu.vector_load_idx %arg5[%broadcast_in_dim3A_44, %parallel_loop3A_159] : memref<32x1024xf32, #tpu.memory_space<vmem>>[vector<16xi32>, vector<16xi32>], vector<16xf32>,
        %parallel_loop3A_242 = tpu.vector_load_idx %arg5[%broadcast_in_dim3A_46, %parallel_loop3A_159] : memref<32x1024xf32, #tpu.memory_space<vmem>>[vector<16xi32>, vector<16xi32>], vector<16xf32>,
        %parallel_loop3A_243 = tpu.vector_load_idx %arg5[%broadcast_in_dim3A_48, %parallel_loop3A_159] : memref<32x1024xf32, #tpu.memory_space<vmem>>[vector<16xi32>, vector<16xi32>], vector<16xf32>,
        %parallel_loop3A_244 = tpu.vector_load_idx %arg5[%broadcast_in_dim3A_50, %parallel_loop3A_159] : memref<32x1024xf32, #tpu.memory_space<vmem>>[vector<16xi32>, vector<16xi32>], vector<16xf32>,
        %parallel_loop3A_245 = tpu.vector_load_idx %arg5[%broadcast_in_dim3A_52, %parallel_loop3A_159] : memref<32x1024xf32, #tpu.memory_space<vmem>>[vector<16xi32>, vector<16xi32>], vector<16xf32>,
        %parallel_loop3A_246 = tpu.vector_load_idx %arg5[%broadcast_in_dim3A_54, %parallel_loop3A_159] : memref<32x1024xf32, #tpu.memory_space<vmem>>[vector<16xi32>, vector<16xi32>], vector<16xf32>,
        %parallel_loop3A_247 = tpu.vector_load_idx %arg5[%broadcast_in_dim3A_56, %parallel_loop3A_159] : memref<32x1024xf32, #tpu.memory_space<vmem>>[vector<16xi32>, vector<16xi32>], vector<16xf32>,
        %parallel_loop3A_248 = arith.constant 16 : i32
        %parallel_loop3A_249 = arith.index_cast %parallel_loop3A_248 : i32 to index
        %parallel_loop3A_250 = arith.index_cast %parallel_loop3A_157 : i32 to index
        %parallel_loop3A_251 = tpu.vector_load %arg8[%parallel_loop3A_249, %parallel_loop3A_250] {strides = array<i32>} : memref<32x1024xf32, #tpu.memory_space<vmem>>, vector<16xf32>,
        tpu.vector_store %arg8[%parallel_loop3A_249, %parallel_loop3A_250], %parallel_loop3A_240 {strides = array<i32>} : memref<32x1024xf32, #tpu.memory_space<vmem>>, vector<16xf32>,
        %parallel_loop3A_252 = arith.constant 17 : i32
        %parallel_loop3A_253 = arith.index_cast %parallel_loop3A_252 : i32 to index
        %parallel_loop3A_254 = arith.index_cast %parallel_loop3A_157 : i32 to index
        %parallel_loop3A_255 = tpu.vector_load %arg8[%parallel_loop3A_253, %parallel_loop3A_254] {strides = array<i32>} : memref<32x1024xf32, #tpu.memory_space<vmem>>, vector<16xf32>,
        tpu.vector_store %arg8[%parallel_loop3A_253, %parallel_loop3A_254], %parallel_loop3A_241 {strides = array<i32>} : memref<32x1024xf32, #tpu.memory_space<vmem>>, vector<16xf32>,
        %parallel_loop3A_256 = arith.constant 18 : i32
        %parallel_loop3A_257 = arith.index_cast %parallel_loop3A_256 : i32 to index
        %parallel_loop3A_258 = arith.index_cast %parallel_loop3A_157 : i32 to index
        %parallel_loop3A_259 = tpu.vector_load %arg8[%parallel_loop3A_257, %parallel_loop3A_258] {strides = array<i32>} : memref<32x1024xf32, #tpu.memory_space<vmem>>, vector<16xf32>,
        tpu.vector_store %arg8[%parallel_loop3A_257, %parallel_loop3A_258], %parallel_loop3A_242 {strides = array<i32>} : memref<32x1024xf32, #tpu.memory_space<vmem>>, vector<16xf32>,
        %parallel_loop3A_260 = arith.constant 19 : i32
        %parallel_loop3A_261 = arith.index_cast %parallel_loop3A_260 : i32 to index
        %parallel_loop3A_262 = arith.index_cast %parallel_loop3A_157 : i32 to index
        %parallel_loop3A_263 = tpu.vector_load %arg8[%parallel_loop3A_261, %parallel_loop3A_262] {strides = array<i32>} : memref<32x1024xf32, #tpu.memory_space<vmem>>, vector<16xf32>,
        tpu.vector_store %arg8[%parallel_loop3A_261, %parallel_loop3A_262], %parallel_loop3A_243 {strides = array<i32>} : memref<32x1024xf32, #tpu.memory_space<vmem>>, vector<16xf32>,
        %parallel_loop3A_264 = arith.constant 20 : i32
        %parallel_loop3A_265 = arith.index_cast %parallel_loop3A_264 : i32 to index
        %parallel_loop3A_266 = arith.index_cast %parallel_loop3A_157 : i32 to index
        %parallel_loop3A_267 = tpu.vector_load %arg8[%parallel_loop3A_265, %parallel_loop3A_266] {strides = array<i32>} : memref<32x1024xf32, #tpu.memory_space<vmem>>, vector<16xf32>,
        tpu.vector_store %arg8[%parallel_loop3A_265, %parallel_loop3A_266], %parallel_loop3A_244 {strides = array<i32>} : memref<32x1024xf32, #tpu.memory_space<vmem>>, vector<16xf32>,
        %parallel_loop3A_268 = arith.constant 21 : i32
        %parallel_loop3A_269 = arith.index_cast %parallel_loop3A_268 : i32 to index
        %parallel_loop3A_270 = arith.index_cast %parallel_loop3A_157 : i32 to index
        %parallel_loop3A_271 = tpu.vector_load %arg8[%parallel_loop3A_269, %parallel_loop3A_270] {strides = array<i32>} : memref<32x1024xf32, #tpu.memory_space<vmem>>, vector<16xf32>,
        tpu.vector_store %arg8[%parallel_loop3A_269, %parallel_loop3A_270], %parallel_loop3A_245 {strides = array<i32>} : memref<32x1024xf32, #tpu.memory_space<vmem>>, vector<16xf32>,
        %parallel_loop3A_272 = arith.constant 22 : i32
        %parallel_loop3A_273 = arith.index_cast %parallel_loop3A_272 : i32 to index
        %parallel_loop3A_274 = arith.index_cast %parallel_loop3A_157 : i32 to index
        %parallel_loop3A_275 = tpu.vector_load %arg8[%parallel_loop3A_273, %parallel_loop3A_274] {strides = array<i32>} : memref<32x1024xf32, #tpu.memory_space<vmem>>, vector<16xf32>,
        tpu.vector_store %arg8[%parallel_loop3A_273, %parallel_loop3A_274], %parallel_loop3A_246 {strides = array<i32>} : memref<32x1024xf32, #tpu.memory_space<vmem>>, vector<16xf32>,
        %parallel_loop3A_276 = arith.constant 23 : i32
        %parallel_loop3A_277 = arith.index_cast %parallel_loop3A_276 : i32 to index
        %parallel_loop3A_278 = arith.index_cast %parallel_loop3A_157 : i32 to index
        %parallel_loop3A_279 = tpu.vector_load %arg8[%parallel_loop3A_277, %parallel_loop3A_278] {strides = array<i32>} : memref<32x1024xf32, #tpu.memory_space<vmem>>, vector<16xf32>,
        tpu.vector_store %arg8[%parallel_loop3A_277, %parallel_loop3A_278], %parallel_loop3A_247 {strides = array<i32>} : memref<32x1024xf32, #tpu.memory_space<vmem>>, vector<16xf32>,
        %parallel_loop3A_280 = tpu.vector_load_idx %arg5[%broadcast_in_dim3A_58, %parallel_loop3A_159] : memref<32x1024xf32, #tpu.memory_space<vmem>>[vector<16xi32>, vector<16xi32>], vector<16xf32>,
        %parallel_loop3A_281 = tpu.vector_load_idx %arg5[%broadcast_in_dim3A_60, %parallel_loop3A_159] : memref<32x1024xf32, #tpu.memory_space<vmem>>[vector<16xi32>, vector<16xi32>], vector<16xf32>,
        %parallel_loop3A_282 = tpu.vector_load_idx %arg5[%broadcast_in_dim3A_62, %parallel_loop3A_159] : memref<32x1024xf32, #tpu.memory_space<vmem>>[vector<16xi32>, vector<16xi32>], vector<16xf32>,
        %parallel_loop3A_283 = tpu.vector_load_idx %arg5[%broadcast_in_dim3A_64, %parallel_loop3A_159] : memref<32x1024xf32, #tpu.memory_space<vmem>>[vector<16xi32>, vector<16xi32>], vector<16xf32>,
        %parallel_loop3A_284 = tpu.vector_load_idx %arg5[%broadcast_in_dim3A_66, %parallel_loop3A_159] : memref<32x1024xf32, #tpu.memory_space<vmem>>[vector<16xi32>, vector<16xi32>], vector<16xf32>,
        %parallel_loop3A_285 = tpu.vector_load_idx %arg5[%broadcast_in_dim3A_68, %parallel_loop3A_159] : memref<32x1024xf32, #tpu.memory_space<vmem>>[vector<16xi32>, vector<16xi32>], vector<16xf32>,
        %parallel_loop3A_286 = tpu.vector_load_idx %arg5[%broadcast_in_dim3A_70, %parallel_loop3A_159] : memref<32x1024xf32, #tpu.memory_space<vmem>>[vector<16xi32>, vector<16xi32>], vector<16xf32>,
        %parallel_loop3A_287 = tpu.vector_load_idx %arg5[%broadcast_in_dim3A_72, %parallel_loop3A_159] : memref<32x1024xf32, #tpu.memory_space<vmem>>[vector<16xi32>, vector<16xi32>], vector<16xf32>,
        %parallel_loop3A_288 = arith.constant 24 : i32
        %parallel_loop3A_289 = arith.index_cast %parallel_loop3A_288 : i32 to index
        %parallel_loop3A_290 = arith.index_cast %parallel_loop3A_157 : i32 to index
        %parallel_loop3A_291 = tpu.vector_load %arg8[%parallel_loop3A_289, %parallel_loop3A_290] {strides = array<i32>} : memref<32x1024xf32, #tpu.memory_space<vmem>>, vector<16xf32>,
        tpu.vector_store %arg8[%parallel_loop3A_289, %parallel_loop3A_290], %parallel_loop3A_280 {strides = array<i32>} : memref<32x1024xf32, #tpu.memory_space<vmem>>, vector<16xf32>,
        %parallel_loop3A_292 = arith.constant 25 : i32
        %parallel_loop3A_293 = arith.index_cast %parallel_loop3A_292 : i32 to index
        %parallel_loop3A_294 = arith.index_cast %parallel_loop3A_157 : i32 to index
        %parallel_loop3A_295 = tpu.vector_load %arg8[%parallel_loop3A_293, %parallel_loop3A_294] {strides = array<i32>} : memref<32x1024xf32, #tpu.memory_space<vmem>>, vector<16xf32>,
        tpu.vector_store %arg8[%parallel_loop3A_293, %parallel_loop3A_294], %parallel_loop3A_281 {strides = array<i32>} : memref<32x1024xf32, #tpu.memory_space<vmem>>, vector<16xf32>,
        %parallel_loop3A_296 = arith.constant 26 : i32
        %parallel_loop3A_297 = arith.index_cast %parallel_loop3A_296 : i32 to index
        %parallel_loop3A_298 = arith.index_cast %parallel_loop3A_157 : i32 to index
        %parallel_loop3A_299 = tpu.vector_load %arg8[%parallel_loop3A_297, %parallel_loop3A_298] {strides = array<i32>} : memref<32x1024xf32, #tpu.memory_space<vmem>>, vector<16xf32>,
        tpu.vector_store %arg8[%parallel_loop3A_297, %parallel_loop3A_298], %parallel_loop3A_282 {strides = array<i32>} : memref<32x1024xf32, #tpu.memory_space<vmem>>, vector<16xf32>,
        %parallel_loop3A_300 = arith.constant 27 : i32
        %parallel_loop3A_301 = arith.index_cast %parallel_loop3A_300 : i32 to index
        %parallel_loop3A_302 = arith.index_cast %parallel_loop3A_157 : i32 to index
        %parallel_loop3A_303 = tpu.vector_load %arg8[%parallel_loop3A_301, %parallel_loop3A_302] {strides = array<i32>} : memref<32x1024xf32, #tpu.memory_space<vmem>>, vector<16xf32>,
        tpu.vector_store %arg8[%parallel_loop3A_301, %parallel_loop3A_302], %parallel_loop3A_283 {strides = array<i32>} : memref<32x1024xf32, #tpu.memory_space<vmem>>, vector<16xf32>,
        %parallel_loop3A_304 = arith.constant 28 : i32
        %parallel_loop3A_305 = arith.index_cast %parallel_loop3A_304 : i32 to index
        %parallel_loop3A_306 = arith.index_cast %parallel_loop3A_157 : i32 to index
        %parallel_loop3A_307 = tpu.vector_load %arg8[%parallel_loop3A_305, %parallel_loop3A_306] {strides = array<i32>} : memref<32x1024xf32, #tpu.memory_space<vmem>>, vector<16xf32>,
        tpu.vector_store %arg8[%parallel_loop3A_305, %parallel_loop3A_306], %parallel_loop3A_284 {strides = array<i32>} : memref<32x1024xf32, #tpu.memory_space<vmem>>, vector<16xf32>,
        %parallel_loop3A_308 = arith.constant 29 : i32
        %parallel_loop3A_309 = arith.index_cast %parallel_loop3A_308 : i32 to index
        %parallel_loop3A_310 = arith.index_cast %parallel_loop3A_157 : i32 to index
        %parallel_loop3A_311 = tpu.vector_load %arg8[%parallel_loop3A_309, %parallel_loop3A_310] {strides = array<i32>} : memref<32x1024xf32, #tpu.memory_space<vmem>>, vector<16xf32>,
        tpu.vector_store %arg8[%parallel_loop3A_309, %parallel_loop3A_310], %parallel_loop3A_285 {strides = array<i32>} : memref<32x1024xf32, #tpu.memory_space<vmem>>, vector<16xf32>,
        %parallel_loop3A_312 = arith.constant 30 : i32
        %parallel_loop3A_313 = arith.index_cast %parallel_loop3A_312 : i32 to index
        %parallel_loop3A_314 = arith.index_cast %parallel_loop3A_157 : i32 to index
        %parallel_loop3A_315 = tpu.vector_load %arg8[%parallel_loop3A_313, %parallel_loop3A_314] {strides = array<i32>} : memref<32x1024xf32, #tpu.memory_space<vmem>>, vector<16xf32>,
        tpu.vector_store %arg8[%parallel_loop3A_313, %parallel_loop3A_314], %parallel_loop3A_286 {strides = array<i32>} : memref<32x1024xf32, #tpu.memory_space<vmem>>, vector<16xf32>,
        %parallel_loop3A_316 = arith.constant 31 : i32
        %parallel_loop3A_317 = arith.index_cast %parallel_loop3A_316 : i32 to index
        %parallel_loop3A_318 = arith.index_cast %parallel_loop3A_157 : i32 to index
        %parallel_loop3A_319 = tpu.vector_load %arg8[%parallel_loop3A_317, %parallel_loop3A_318] {strides = array<i32>} : memref<32x1024xf32, #tpu.memory_space<vmem>>, vector<16xf32>,
        tpu.vector_store %arg8[%parallel_loop3A_317, %parallel_loop3A_318], %parallel_loop3A_287 {strides = array<i32>} : memref<32x1024xf32, #tpu.memory_space<vmem>>, vector<16xf32>,
      } {sc.loop_unroll_factor = 2 : i64, sc.parallel_access}
      %dma_start3A_115 = arith.constant 0 : i32
      %dma_start3A_116 = tpu.memref_slice %arg4[%add3A_97, %multiple_of3A, %dma_start3A_115] : memref<50x1000x1024xf32, #tpu.memory_space<hbm>> -> memref<1x32x1024xf32, #tpu.memory_space<hbm>>
      %dma_start3A_117 = tpu.memref_squeeze %dma_start3A_116 : memref<1x32x1024xf32, #tpu.memory_space<hbm>> -> memref<32x1024xf32, #tpu.memory_space<hbm>>
      %dma_start3A_118 = arith.constant 0 : i32
      %dma_start3A_119 = tpu.memref_slice %arg4[%add3A_97, %multiple_of3A, %dma_start3A_118] : memref<50x1000x1024xf32, #tpu.memory_space<hbm>> -> memref<1x32x1024xf32, #tpu.memory_space<hbm>>
      %dma_start3A_120 = tpu.memref_squeeze %dma_start3A_119 : memref<1x32x1024xf32, #tpu.memory_space<hbm>> -> memref<32x1024xf32, #tpu.memory_space<hbm>>
      tpu.enqueue_dma source(%arg8 : memref<32x1024xf32, #tpu.memory_space<vmem>>) target(%dma_start3A_120 : memref<32x1024xf32, #tpu.memory_space<hbm>>) target_semaphore(%arg12 : memref<!tpu.dma_semaphore, #tpu.memory_space<semaphore_mem>>)
      %mul3A_121 = arith.constant 2 : i32
      %mul3A_122 = arith.muli %mul3A_121, %scan3A_92 : i32
      %add3A_123 = arith.constant 1 : i32
      %add3A_124 = arith.addi %mul3A_122, %add3A_123 : i32
      %dma_wait3A_125 = arith.constant 0 : i32
      %dma_wait3A_126 = arith.constant 0 : i32
      %dma_wait3A_127 = tpu.memref_slice %arg2[%dma_wait3A_125, %dma_wait3A_126] : memref<50x1024xi32, #tpu.memory_space<hbm>> -> memref<1x1024xi32, #tpu.memory_space<hbm>>
      %dma_wait3A_128 = tpu.memref_squeeze %dma_wait3A_127 : memref<1x1024xi32, #tpu.memory_space<hbm>> -> memref<1024xi32, #tpu.memory_space<hbm>>
      %dma_wait3A_129 = arith.constant 0 : i32
      %dma_wait3A_130 = tpu.memref_slice %arg2[%dma_wait3A_125, %dma_wait3A_129] : memref<50x1024xi32, #tpu.memory_space<hbm>> -> memref<1x1024xi32, #tpu.memory_space<hbm>>
      %dma_wait3A_131 = tpu.memref_squeeze %dma_wait3A_130 : memref<1x1024xi32, #tpu.memory_space<hbm>> -> memref<1024xi32, #tpu.memory_space<hbm>>
      tpu.wait_dma2 semaphore(%arg11 : memref<!tpu.dma_semaphore, #tpu.memory_space<semaphore_mem>>) src(%dma_wait3A_131 : memref<1024xi32, #tpu.memory_space<hbm>>) dst(%arg7 : memref<1024xi32, #tpu.memory_space<vmem>>)
      %add3A_132 = arith.constant 1 : i32
      %add3A_133 = arith.addi %add3A_124, %add3A_132 : i32
      %lt3A_134 = arith.constant 50 : i32
      %lt3A_135 = arith.cmpi slt, %add3A_133, %lt3A_134 : i32
      %convert_element_type3A_136 = arith.extui %lt3A_135 : i1 to i32
      %cond3A_137 = arith.constant 0 : i32
      %cond3A_138 = arith.cmpi ne, %convert_element_type3A_136, %cond3A_137 : i32
      scf.if %cond3A_138 {
        %add3A_154 = arith.constant 1 : i32
        %add3A_155 = arith.addi %add3A_124, %add3A_154 : i32
        %dma_start3A_156 = arith.constant 0 : i32
        %dma_start3A_157 = tpu.memref_slice %arg2[%add3A_155, %dma_start3A_156] : memref<50x1024xi32, #tpu.memory_space<hbm>> -> memref<1x1024xi32, #tpu.memory_space<hbm>>
        %dma_start3A_158 = tpu.memref_squeeze %dma_start3A_157 : memref<1x1024xi32, #tpu.memory_space<hbm>> -> memref<1024xi32, #tpu.memory_space<hbm>>
        %dma_start3A_159 = arith.constant 0 : i32
        %dma_start3A_160 = tpu.memref_slice %arg2[%add3A_155, %dma_start3A_159] : memref<50x1024xi32, #tpu.memory_space<hbm>> -> memref<1x1024xi32, #tpu.memory_space<hbm>>
        %dma_start3A_161 = tpu.memref_squeeze %dma_start3A_160 : memref<1x1024xi32, #tpu.memory_space<hbm>> -> memref<1024xi32, #tpu.memory_space<hbm>>
        tpu.enqueue_dma source(%dma_start3A_161 : memref<1024xi32, #tpu.memory_space<hbm>>) target(%arg6 : memref<1024xi32, #tpu.memory_space<vmem>>) target_semaphore(%arg10 : memref<!tpu.dma_semaphore, #tpu.memory_space<semaphore_mem>>)
      } else {
      }
      %ge3A_139 = arith.constant 2 : i32
      %ge3A_140 = arith.cmpi sge, %add3A_124, %ge3A_139 : i32
      %convert_element_type3A_141 = arith.extui %ge3A_140 : i1 to i32
      %cond3A_142 = arith.constant 0 : i32
      %cond3A_143 = arith.cmpi ne, %convert_element_type3A_141, %cond3A_142 : i32
      scf.if %cond3A_143 {
        %dma_wait3A_154 = arith.constant 0 : i32
        %dma_wait3A_155 = arith.constant 0 : i32
        %dma_wait3A_156 = tpu.memref_slice %arg4[%dma_wait3A_154, %multiple_of3A, %dma_wait3A_155] : memref<50x1000x1024xf32, #tpu.memory_space<hbm>> -> memref<1x32x1024xf32, #tpu.memory_space<hbm>>
        %dma_wait3A_157 = tpu.memref_squeeze %dma_wait3A_156 : memref<1x32x1024xf32, #tpu.memory_space<hbm>> -> memref<32x1024xf32, #tpu.memory_space<hbm>>
        %dma_wait3A_158 = arith.constant 0 : i32
        %dma_wait3A_159 = tpu.memref_slice %arg4[%dma_wait3A_154, %multiple_of3A, %dma_wait3A_158] : memref<50x1000x1024xf32, #tpu.memory_space<hbm>> -> memref<1x32x1024xf32, #tpu.memory_space<hbm>>
        %dma_wait3A_160 = tpu.memref_squeeze %dma_wait3A_159 : memref<1x32x1024xf32, #tpu.memory_space<hbm>> -> memref<32x1024xf32, #tpu.memory_space<hbm>>
        tpu.wait_dma2 semaphore(%arg13 : memref<!tpu.dma_semaphore, #tpu.memory_space<semaphore_mem>>) src(%arg9 : memref<32x1024xf32, #tpu.memory_space<vmem>>) dst(%dma_wait3A_160 : memref<32x1024xf32, #tpu.memory_space<hbm>>)
      } else {
      }
      %parallel_loop3A_144 = arith.constant 0 : i32
      %parallel_loop3A_145 = arith.constant 64 : i32
      %parallel_loop3A_146 = arith.constant 1 : i32
      scf.for %parallel_loop3A_154 = %parallel_loop3A_144 to %parallel_loop3A_145 step %parallel_loop3A_146  : i32 {
        %parallel_loop3A_155 = arith.constant 16 : i32
        %parallel_loop3A_156 = arith.muli %parallel_loop3A_154, %parallel_loop3A_155 : i32
        %parallel_loop3A_157 = tpu.assume_multiple %parallel_loop3A_156, 16 : i32
        %parallel_loop3A_158 = arith.index_cast %parallel_loop3A_157 : i32 to index
        %parallel_loop3A_159 = tpu.vector_load %arg7[%parallel_loop3A_158] {strides = array<i32>} : memref<1024xi32, #tpu.memory_space<vmem>>, vector<16xi32>,
        %parallel_loop3A_160 = tpu.vector_load_idx %arg5[%broadcast_in_dim3A_10, %parallel_loop3A_159] : memref<32x1024xf32, #tpu.memory_space<vmem>>[vector<16xi32>, vector<16xi32>], vector<16xf32>,
        %parallel_loop3A_161 = tpu.vector_load_idx %arg5[%broadcast_in_dim3A_12, %parallel_loop3A_159] : memref<32x1024xf32, #tpu.memory_space<vmem>>[vector<16xi32>, vector<16xi32>], vector<16xf32>,
        %parallel_loop3A_162 = tpu.vector_load_idx %arg5[%broadcast_in_dim3A_14, %parallel_loop3A_159] : memref<32x1024xf32, #tpu.memory_space<vmem>>[vector<16xi32>, vector<16xi32>], vector<16xf32>,
        %parallel_loop3A_163 = tpu.vector_load_idx %arg5[%broadcast_in_dim3A_16, %parallel_loop3A_159] : memref<32x1024xf32, #tpu.memory_space<vmem>>[vector<16xi32>, vector<16xi32>], vector<16xf32>,
        %parallel_loop3A_164 = tpu.vector_load_idx %arg5[%broadcast_in_dim3A_18, %parallel_loop3A_159] : memref<32x1024xf32, #tpu.memory_space<vmem>>[vector<16xi32>, vector<16xi32>], vector<16xf32>,
        %parallel_loop3A_165 = tpu.vector_load_idx %arg5[%broadcast_in_dim3A_20, %parallel_loop3A_159] : memref<32x1024xf32, #tpu.memory_space<vmem>>[vector<16xi32>, vector<16xi32>], vector<16xf32>,
        %parallel_loop3A_166 = tpu.vector_load_idx %arg5[%broadcast_in_dim3A_22, %parallel_loop3A_159] : memref<32x1024xf32, #tpu.memory_space<vmem>>[vector<16xi32>, vector<16xi32>], vector<16xf32>,
        %parallel_loop3A_167 = tpu.vector_load_idx %arg5[%broadcast_in_dim3A_24, %parallel_loop3A_159] : memref<32x1024xf32, #tpu.memory_space<vmem>>[vector<16xi32>, vector<16xi32>], vector<16xf32>,
        %parallel_loop3A_168 = arith.constant 0 : i32
        %parallel_loop3A_169 = arith.index_cast %parallel_loop3A_168 : i32 to index
        %parallel_loop3A_170 = arith.index_cast %parallel_loop3A_157 : i32 to index
        %parallel_loop3A_171 = tpu.vector_load %arg9[%parallel_loop3A_169, %parallel_loop3A_170] {strides = array<i32>} : memref<32x1024xf32, #tpu.memory_space<vmem>>, vector<16xf32>,
        tpu.vector_store %arg9[%parallel_loop3A_169, %parallel_loop3A_170], %parallel_loop3A_160 {strides = array<i32>} : memref<32x1024xf32, #tpu.memory_space<vmem>>, vector<16xf32>,
        %parallel_loop3A_172 = arith.constant 1 : i32
        %parallel_loop3A_173 = arith.index_cast %parallel_loop3A_172 : i32 to index
        %parallel_loop3A_174 = arith.index_cast %parallel_loop3A_157 : i32 to index
        %parallel_loop3A_175 = tpu.vector_load %arg9[%parallel_loop3A_173, %parallel_loop3A_174] {strides = array<i32>} : memref<32x1024xf32, #tpu.memory_space<vmem>>, vector<16xf32>,
        tpu.vector_store %arg9[%parallel_loop3A_173, %parallel_loop3A_174], %parallel_loop3A_161 {strides = array<i32>} : memref<32x1024xf32, #tpu.memory_space<vmem>>, vector<16xf32>,
        %parallel_loop3A_176 = arith.constant 2 : i32
        %parallel_loop3A_177 = arith.index_cast %parallel_loop3A_176 : i32 to index
        %parallel_loop3A_178 = arith.index_cast %parallel_loop3A_157 : i32 to index
        %parallel_loop3A_179 = tpu.vector_load %arg9[%parallel_loop3A_177, %parallel_loop3A_178] {strides = array<i32>} : memref<32x1024xf32, #tpu.memory_space<vmem>>, vector<16xf32>,
        tpu.vector_store %arg9[%parallel_loop3A_177, %parallel_loop3A_178], %parallel_loop3A_162 {strides = array<i32>} : memref<32x1024xf32, #tpu.memory_space<vmem>>, vector<16xf32>,
        %parallel_loop3A_180 = arith.constant 3 : i32
        %parallel_loop3A_181 = arith.index_cast %parallel_loop3A_180 : i32 to index
        %parallel_loop3A_182 = arith.index_cast %parallel_loop3A_157 : i32 to index
        %parallel_loop3A_183 = tpu.vector_load %arg9[%parallel_loop3A_181, %parallel_loop3A_182] {strides = array<i32>} : memref<32x1024xf32, #tpu.memory_space<vmem>>, vector<16xf32>,
        tpu.vector_store %arg9[%parallel_loop3A_181, %parallel_loop3A_182], %parallel_loop3A_163 {strides = array<i32>} : memref<32x1024xf32, #tpu.memory_space<vmem>>, vector<16xf32>,
        %parallel_loop3A_184 = arith.constant 4 : i32
        %parallel_loop3A_185 = arith.index_cast %parallel_loop3A_184 : i32 to index
        %parallel_loop3A_186 = arith.index_cast %parallel_loop3A_157 : i32 to index
        %parallel_loop3A_187 = tpu.vector_load %arg9[%parallel_loop3A_185, %parallel_loop3A_186] {strides = array<i32>} : memref<32x1024xf32, #tpu.memory_space<vmem>>, vector<16xf32>,
        tpu.vector_store %arg9[%parallel_loop3A_185, %parallel_loop3A_186], %parallel_loop3A_164 {strides = array<i32>} : memref<32x1024xf32, #tpu.memory_space<vmem>>, vector<16xf32>,
        %parallel_loop3A_188 = arith.constant 5 : i32
        %parallel_loop3A_189 = arith.index_cast %parallel_loop3A_188 : i32 to index
        %parallel_loop3A_190 = arith.index_cast %parallel_loop3A_157 : i32 to index
        %parallel_loop3A_191 = tpu.vector_load %arg9[%parallel_loop3A_189, %parallel_loop3A_190] {strides = array<i32>} : memref<32x1024xf32, #tpu.memory_space<vmem>>, vector<16xf32>,
        tpu.vector_store %arg9[%parallel_loop3A_189, %parallel_loop3A_190], %parallel_loop3A_165 {strides = array<i32>} : memref<32x1024xf32, #tpu.memory_space<vmem>>, vector<16xf32>,
        %parallel_loop3A_192 = arith.constant 6 : i32
        %parallel_loop3A_193 = arith.index_cast %parallel_loop3A_192 : i32 to index
        %parallel_loop3A_194 = arith.index_cast %parallel_loop3A_157 : i32 to index
        %parallel_loop3A_195 = tpu.vector_load %arg9[%parallel_loop3A_193, %parallel_loop3A_194] {strides = array<i32>} : memref<32x1024xf32, #tpu.memory_space<vmem>>, vector<16xf32>,
        tpu.vector_store %arg9[%parallel_loop3A_193, %parallel_loop3A_194], %parallel_loop3A_166 {strides = array<i32>} : memref<32x1024xf32, #tpu.memory_space<vmem>>, vector<16xf32>,
        %parallel_loop3A_196 = arith.constant 7 : i32
        %parallel_loop3A_197 = arith.index_cast %parallel_loop3A_196 : i32 to index
        %parallel_loop3A_198 = arith.index_cast %parallel_loop3A_157 : i32 to index
        %parallel_loop3A_199 = tpu.vector_load %arg9[%parallel_loop3A_197, %parallel_loop3A_198] {strides = array<i32>} : memref<32x1024xf32, #tpu.memory_space<vmem>>, vector<16xf32>,
        tpu.vector_store %arg9[%parallel_loop3A_197, %parallel_loop3A_198], %parallel_loop3A_167 {strides = array<i32>} : memref<32x1024xf32, #tpu.memory_space<vmem>>, vector<16xf32>,
        %parallel_loop3A_200 = tpu.vector_load_idx %arg5[%broadcast_in_dim3A_26, %parallel_loop3A_159] : memref<32x1024xf32, #tpu.memory_space<vmem>>[vector<16xi32>, vector<16xi32>], vector<16xf32>,
        %parallel_loop3A_201 = tpu.vector_load_idx %arg5[%broadcast_in_dim3A_28, %parallel_loop3A_159] : memref<32x1024xf32, #tpu.memory_space<vmem>>[vector<16xi32>, vector<16xi32>], vector<16xf32>,
        %parallel_loop3A_202 = tpu.vector_load_idx %arg5[%broadcast_in_dim3A_30, %parallel_loop3A_159] : memref<32x1024xf32, #tpu.memory_space<vmem>>[vector<16xi32>, vector<16xi32>], vector<16xf32>,
        %parallel_loop3A_203 = tpu.vector_load_idx %arg5[%broadcast_in_dim3A_32, %parallel_loop3A_159] : memref<32x1024xf32, #tpu.memory_space<vmem>>[vector<16xi32>, vector<16xi32>], vector<16xf32>,
        %parallel_loop3A_204 = tpu.vector_load_idx %arg5[%broadcast_in_dim3A_34, %parallel_loop3A_159] : memref<32x1024xf32, #tpu.memory_space<vmem>>[vector<16xi32>, vector<16xi32>], vector<16xf32>,
        %parallel_loop3A_205 = tpu.vector_load_idx %arg5[%broadcast_in_dim3A_36, %parallel_loop3A_159] : memref<32x1024xf32, #tpu.memory_space<vmem>>[vector<16xi32>, vector<16xi32>], vector<16xf32>,
        %parallel_loop3A_206 = tpu.vector_load_idx %arg5[%broadcast_in_dim3A_38, %parallel_loop3A_159] : memref<32x1024xf32, #tpu.memory_space<vmem>>[vector<16xi32>, vector<16xi32>], vector<16xf32>,
        %parallel_loop3A_207 = tpu.vector_load_idx %arg5[%broadcast_in_dim3A_40, %parallel_loop3A_159] : memref<32x1024xf32, #tpu.memory_space<vmem>>[vector<16xi32>, vector<16xi32>], vector<16xf32>,
        %parallel_loop3A_208 = arith.constant 8 : i32
        %parallel_loop3A_209 = arith.index_cast %parallel_loop3A_208 : i32 to index
        %parallel_loop3A_210 = arith.index_cast %parallel_loop3A_157 : i32 to index
        %parallel_loop3A_211 = tpu.vector_load %arg9[%parallel_loop3A_209, %parallel_loop3A_210] {strides = array<i32>} : memref<32x1024xf32, #tpu.memory_space<vmem>>, vector<16xf32>,
        tpu.vector_store %arg9[%parallel_loop3A_209, %parallel_loop3A_210], %parallel_loop3A_200 {strides = array<i32>} : memref<32x1024xf32, #tpu.memory_space<vmem>>, vector<16xf32>,
        %parallel_loop3A_212 = arith.constant 9 : i32
        %parallel_loop3A_213 = arith.index_cast %parallel_loop3A_212 : i32 to index
        %parallel_loop3A_214 = arith.index_cast %parallel_loop3A_157 : i32 to index
        %parallel_loop3A_215 = tpu.vector_load %arg9[%parallel_loop3A_213, %parallel_loop3A_214] {strides = array<i32>} : memref<32x1024xf32, #tpu.memory_space<vmem>>, vector<16xf32>,
        tpu.vector_store %arg9[%parallel_loop3A_213, %parallel_loop3A_214], %parallel_loop3A_201 {strides = array<i32>} : memref<32x1024xf32, #tpu.memory_space<vmem>>, vector<16xf32>,
        %parallel_loop3A_216 = arith.constant 10 : i32
        %parallel_loop3A_217 = arith.index_cast %parallel_loop3A_216 : i32 to index
        %parallel_loop3A_218 = arith.index_cast %parallel_loop3A_157 : i32 to index
        %parallel_loop3A_219 = tpu.vector_load %arg9[%parallel_loop3A_217, %parallel_loop3A_218] {strides = array<i32>} : memref<32x1024xf32, #tpu.memory_space<vmem>>, vector<16xf32>,
        tpu.vector_store %arg9[%parallel_loop3A_217, %parallel_loop3A_218], %parallel_loop3A_202 {strides = array<i32>} : memref<32x1024xf32, #tpu.memory_space<vmem>>, vector<16xf32>,
        %parallel_loop3A_220 = arith.constant 11 : i32
        %parallel_loop3A_221 = arith.index_cast %parallel_loop3A_220 : i32 to index
        %parallel_loop3A_222 = arith.index_cast %parallel_loop3A_157 : i32 to index
        %parallel_loop3A_223 = tpu.vector_load %arg9[%parallel_loop3A_221, %parallel_loop3A_222] {strides = array<i32>} : memref<32x1024xf32, #tpu.memory_space<vmem>>, vector<16xf32>,
        tpu.vector_store %arg9[%parallel_loop3A_221, %parallel_loop3A_222], %parallel_loop3A_203 {strides = array<i32>} : memref<32x1024xf32, #tpu.memory_space<vmem>>, vector<16xf32>,
        %parallel_loop3A_224 = arith.constant 12 : i32
        %parallel_loop3A_225 = arith.index_cast %parallel_loop3A_224 : i32 to index
        %parallel_loop3A_226 = arith.index_cast %parallel_loop3A_157 : i32 to index
        %parallel_loop3A_227 = tpu.vector_load %arg9[%parallel_loop3A_225, %parallel_loop3A_226] {strides = array<i32>} : memref<32x1024xf32, #tpu.memory_space<vmem>>, vector<16xf32>,
        tpu.vector_store %arg9[%parallel_loop3A_225, %parallel_loop3A_226], %parallel_loop3A_204 {strides = array<i32>} : memref<32x1024xf32, #tpu.memory_space<vmem>>, vector<16xf32>,
        %parallel_loop3A_228 = arith.constant 13 : i32
        %parallel_loop3A_229 = arith.index_cast %parallel_loop3A_228 : i32 to index
        %parallel_loop3A_230 = arith.index_cast %parallel_loop3A_157 : i32 to index
        %parallel_loop3A_231 = tpu.vector_load %arg9[%parallel_loop3A_229, %parallel_loop3A_230] {strides = array<i32>} : memref<32x1024xf32, #tpu.memory_space<vmem>>, vector<16xf32>,
        tpu.vector_store %arg9[%parallel_loop3A_229, %parallel_loop3A_230], %parallel_loop3A_205 {strides = array<i32>} : memref<32x1024xf32, #tpu.memory_space<vmem>>, vector<16xf32>,
        %parallel_loop3A_232 = arith.constant 14 : i32
        %parallel_loop3A_233 = arith.index_cast %parallel_loop3A_232 : i32 to index
        %parallel_loop3A_234 = arith.index_cast %parallel_loop3A_157 : i32 to index
        %parallel_loop3A_235 = tpu.vector_load %arg9[%parallel_loop3A_233, %parallel_loop3A_234] {strides = array<i32>} : memref<32x1024xf32, #tpu.memory_space<vmem>>, vector<16xf32>,
        tpu.vector_store %arg9[%parallel_loop3A_233, %parallel_loop3A_234], %parallel_loop3A_206 {strides = array<i32>} : memref<32x1024xf32, #tpu.memory_space<vmem>>, vector<16xf32>,
        %parallel_loop3A_236 = arith.constant 15 : i32
        %parallel_loop3A_237 = arith.index_cast %parallel_loop3A_236 : i32 to index
        %parallel_loop3A_238 = arith.index_cast %parallel_loop3A_157 : i32 to index
        %parallel_loop3A_239 = tpu.vector_load %arg9[%parallel_loop3A_237, %parallel_loop3A_238] {strides = array<i32>} : memref<32x1024xf32, #tpu.memory_space<vmem>>, vector<16xf32>,
        tpu.vector_store %arg9[%parallel_loop3A_237, %parallel_loop3A_238], %parallel_loop3A_207 {strides = array<i32>} : memref<32x1024xf32, #tpu.memory_space<vmem>>, vector<16xf32>,
        %parallel_loop3A_240 = tpu.vector_load_idx %arg5[%broadcast_in_dim3A_42, %parallel_loop3A_159] : memref<32x1024xf32, #tpu.memory_space<vmem>>[vector<16xi32>, vector<16xi32>], vector<16xf32>,
        %parallel_loop3A_241 = tpu.vector_load_idx %arg5[%broadcast_in_dim3A_44, %parallel_loop3A_159] : memref<32x1024xf32, #tpu.memory_space<vmem>>[vector<16xi32>, vector<16xi32>], vector<16xf32>,
        %parallel_loop3A_242 = tpu.vector_load_idx %arg5[%broadcast_in_dim3A_46, %parallel_loop3A_159] : memref<32x1024xf32, #tpu.memory_space<vmem>>[vector<16xi32>, vector<16xi32>], vector<16xf32>,
        %parallel_loop3A_243 = tpu.vector_load_idx %arg5[%broadcast_in_dim3A_48, %parallel_loop3A_159] : memref<32x1024xf32, #tpu.memory_space<vmem>>[vector<16xi32>, vector<16xi32>], vector<16xf32>,
        %parallel_loop3A_244 = tpu.vector_load_idx %arg5[%broadcast_in_dim3A_50, %parallel_loop3A_159] : memref<32x1024xf32, #tpu.memory_space<vmem>>[vector<16xi32>, vector<16xi32>], vector<16xf32>,
        %parallel_loop3A_245 = tpu.vector_load_idx %arg5[%broadcast_in_dim3A_52, %parallel_loop3A_159] : memref<32x1024xf32, #tpu.memory_space<vmem>>[vector<16xi32>, vector<16xi32>], vector<16xf32>,
        %parallel_loop3A_246 = tpu.vector_load_idx %arg5[%broadcast_in_dim3A_54, %parallel_loop3A_159] : memref<32x1024xf32, #tpu.memory_space<vmem>>[vector<16xi32>, vector<16xi32>], vector<16xf32>,
        %parallel_loop3A_247 = tpu.vector_load_idx %arg5[%broadcast_in_dim3A_56, %parallel_loop3A_159] : memref<32x1024xf32, #tpu.memory_space<vmem>>[vector<16xi32>, vector<16xi32>], vector<16xf32>,
        %parallel_loop3A_248 = arith.constant 16 : i32
        %parallel_loop3A_249 = arith.index_cast %parallel_loop3A_248 : i32 to index
        %parallel_loop3A_250 = arith.index_cast %parallel_loop3A_157 : i32 to index
        %parallel_loop3A_251 = tpu.vector_load %arg9[%parallel_loop3A_249, %parallel_loop3A_250] {strides = array<i32>} : memref<32x1024xf32, #tpu.memory_space<vmem>>, vector<16xf32>,
        tpu.vector_store %arg9[%parallel_loop3A_249, %parallel_loop3A_250], %parallel_loop3A_240 {strides = array<i32>} : memref<32x1024xf32, #tpu.memory_space<vmem>>, vector<16xf32>,
        %parallel_loop3A_252 = arith.constant 17 : i32
        %parallel_loop3A_253 = arith.index_cast %parallel_loop3A_252 : i32 to index
        %parallel_loop3A_254 = arith.index_cast %parallel_loop3A_157 : i32 to index
        %parallel_loop3A_255 = tpu.vector_load %arg9[%parallel_loop3A_253, %parallel_loop3A_254] {strides = array<i32>} : memref<32x1024xf32, #tpu.memory_space<vmem>>, vector<16xf32>,
        tpu.vector_store %arg9[%parallel_loop3A_253, %parallel_loop3A_254], %parallel_loop3A_241 {strides = array<i32>} : memref<32x1024xf32, #tpu.memory_space<vmem>>, vector<16xf32>,
        %parallel_loop3A_256 = arith.constant 18 : i32
        %parallel_loop3A_257 = arith.index_cast %parallel_loop3A_256 : i32 to index
        %parallel_loop3A_258 = arith.index_cast %parallel_loop3A_157 : i32 to index
        %parallel_loop3A_259 = tpu.vector_load %arg9[%parallel_loop3A_257, %parallel_loop3A_258] {strides = array<i32>} : memref<32x1024xf32, #tpu.memory_space<vmem>>, vector<16xf32>,
        tpu.vector_store %arg9[%parallel_loop3A_257, %parallel_loop3A_258], %parallel_loop3A_242 {strides = array<i32>} : memref<32x1024xf32, #tpu.memory_space<vmem>>, vector<16xf32>,
        %parallel_loop3A_260 = arith.constant 19 : i32
        %parallel_loop3A_261 = arith.index_cast %parallel_loop3A_260 : i32 to index
        %parallel_loop3A_262 = arith.index_cast %parallel_loop3A_157 : i32 to index
        %parallel_loop3A_263 = tpu.vector_load %arg9[%parallel_loop3A_261, %parallel_loop3A_262] {strides = array<i32>} : memref<32x1024xf32, #tpu.memory_space<vmem>>, vector<16xf32>,
        tpu.vector_store %arg9[%parallel_loop3A_261, %parallel_loop3A_262], %parallel_loop3A_243 {strides = array<i32>} : memref<32x1024xf32, #tpu.memory_space<vmem>>, vector<16xf32>,
        %parallel_loop3A_264 = arith.constant 20 : i32
        %parallel_loop3A_265 = arith.index_cast %parallel_loop3A_264 : i32 to index
        %parallel_loop3A_266 = arith.index_cast %parallel_loop3A_157 : i32 to index
        %parallel_loop3A_267 = tpu.vector_load %arg9[%parallel_loop3A_265, %parallel_loop3A_266] {strides = array<i32>} : memref<32x1024xf32, #tpu.memory_space<vmem>>, vector<16xf32>,
        tpu.vector_store %arg9[%parallel_loop3A_265, %parallel_loop3A_266], %parallel_loop3A_244 {strides = array<i32>} : memref<32x1024xf32, #tpu.memory_space<vmem>>, vector<16xf32>,
        %parallel_loop3A_268 = arith.constant 21 : i32
        %parallel_loop3A_269 = arith.index_cast %parallel_loop3A_268 : i32 to index
        %parallel_loop3A_270 = arith.index_cast %parallel_loop3A_157 : i32 to index
        %parallel_loop3A_271 = tpu.vector_load %arg9[%parallel_loop3A_269, %parallel_loop3A_270] {strides = array<i32>} : memref<32x1024xf32, #tpu.memory_space<vmem>>, vector<16xf32>,
        tpu.vector_store %arg9[%parallel_loop3A_269, %parallel_loop3A_270], %parallel_loop3A_245 {strides = array<i32>} : memref<32x1024xf32, #tpu.memory_space<vmem>>, vector<16xf32>,
        %parallel_loop3A_272 = arith.constant 22 : i32
        %parallel_loop3A_273 = arith.index_cast %parallel_loop3A_272 : i32 to index
        %parallel_loop3A_274 = arith.index_cast %parallel_loop3A_157 : i32 to index
        %parallel_loop3A_275 = tpu.vector_load %arg9[%parallel_loop3A_273, %parallel_loop3A_274] {strides = array<i32>} : memref<32x1024xf32, #tpu.memory_space<vmem>>, vector<16xf32>,
        tpu.vector_store %arg9[%parallel_loop3A_273, %parallel_loop3A_274], %parallel_loop3A_246 {strides = array<i32>} : memref<32x1024xf32, #tpu.memory_space<vmem>>, vector<16xf32>,
        %parallel_loop3A_276 = arith.constant 23 : i32
        %parallel_loop3A_277 = arith.index_cast %parallel_loop3A_276 : i32 to index
        %parallel_loop3A_278 = arith.index_cast %parallel_loop3A_157 : i32 to index
        %parallel_loop3A_279 = tpu.vector_load %arg9[%parallel_loop3A_277, %parallel_loop3A_278] {strides = array<i32>} : memref<32x1024xf32, #tpu.memory_space<vmem>>, vector<16xf32>,
        tpu.vector_store %arg9[%parallel_loop3A_277, %parallel_loop3A_278], %parallel_loop3A_247 {strides = array<i32>} : memref<32x1024xf32, #tpu.memory_space<vmem>>, vector<16xf32>,
        %parallel_loop3A_280 = tpu.vector_load_idx %arg5[%broadcast_in_dim3A_58, %parallel_loop3A_159] : memref<32x1024xf32, #tpu.memory_space<vmem>>[vector<16xi32>, vector<16xi32>], vector<16xf32>,
        %parallel_loop3A_281 = tpu.vector_load_idx %arg5[%broadcast_in_dim3A_60, %parallel_loop3A_159] : memref<32x1024xf32, #tpu.memory_space<vmem>>[vector<16xi32>, vector<16xi32>], vector<16xf32>,
        %parallel_loop3A_282 = tpu.vector_load_idx %arg5[%broadcast_in_dim3A_62, %parallel_loop3A_159] : memref<32x1024xf32, #tpu.memory_space<vmem>>[vector<16xi32>, vector<16xi32>], vector<16xf32>,
        %parallel_loop3A_283 = tpu.vector_load_idx %arg5[%broadcast_in_dim3A_64, %parallel_loop3A_159] : memref<32x1024xf32, #tpu.memory_space<vmem>>[vector<16xi32>, vector<16xi32>], vector<16xf32>,
        %parallel_loop3A_284 = tpu.vector_load_idx %arg5[%broadcast_in_dim3A_66, %parallel_loop3A_159] : memref<32x1024xf32, #tpu.memory_space<vmem>>[vector<16xi32>, vector<16xi32>], vector<16xf32>,
        %parallel_loop3A_285 = tpu.vector_load_idx %arg5[%broadcast_in_dim3A_68, %parallel_loop3A_159] : memref<32x1024xf32, #tpu.memory_space<vmem>>[vector<16xi32>, vector<16xi32>], vector<16xf32>,
        %parallel_loop3A_286 = tpu.vector_load_idx %arg5[%broadcast_in_dim3A_70, %parallel_loop3A_159] : memref<32x1024xf32, #tpu.memory_space<vmem>>[vector<16xi32>, vector<16xi32>], vector<16xf32>,
        %parallel_loop3A_287 = tpu.vector_load_idx %arg5[%broadcast_in_dim3A_72, %parallel_loop3A_159] : memref<32x1024xf32, #tpu.memory_space<vmem>>[vector<16xi32>, vector<16xi32>], vector<16xf32>,
        %parallel_loop3A_288 = arith.constant 24 : i32
        %parallel_loop3A_289 = arith.index_cast %parallel_loop3A_288 : i32 to index
        %parallel_loop3A_290 = arith.index_cast %parallel_loop3A_157 : i32 to index
        %parallel_loop3A_291 = tpu.vector_load %arg9[%parallel_loop3A_289, %parallel_loop3A_290] {strides = array<i32>} : memref<32x1024xf32, #tpu.memory_space<vmem>>, vector<16xf32>,
        tpu.vector_store %arg9[%parallel_loop3A_289, %parallel_loop3A_290], %parallel_loop3A_280 {strides = array<i32>} : memref<32x1024xf32, #tpu.memory_space<vmem>>, vector<16xf32>,
        %parallel_loop3A_292 = arith.constant 25 : i32
        %parallel_loop3A_293 = arith.index_cast %parallel_loop3A_292 : i32 to index
        %parallel_loop3A_294 = arith.index_cast %parallel_loop3A_157 : i32 to index
        %parallel_loop3A_295 = tpu.vector_load %arg9[%parallel_loop3A_293, %parallel_loop3A_294] {strides = array<i32>} : memref<32x1024xf32, #tpu.memory_space<vmem>>, vector<16xf32>,
        tpu.vector_store %arg9[%parallel_loop3A_293, %parallel_loop3A_294], %parallel_loop3A_281 {strides = array<i32>} : memref<32x1024xf32, #tpu.memory_space<vmem>>, vector<16xf32>,
        %parallel_loop3A_296 = arith.constant 26 : i32
        %parallel_loop3A_297 = arith.index_cast %parallel_loop3A_296 : i32 to index
        %parallel_loop3A_298 = arith.index_cast %parallel_loop3A_157 : i32 to index
        %parallel_loop3A_299 = tpu.vector_load %arg9[%parallel_loop3A_297, %parallel_loop3A_298] {strides = array<i32>} : memref<32x1024xf32, #tpu.memory_space<vmem>>, vector<16xf32>,
        tpu.vector_store %arg9[%parallel_loop3A_297, %parallel_loop3A_298], %parallel_loop3A_282 {strides = array<i32>} : memref<32x1024xf32, #tpu.memory_space<vmem>>, vector<16xf32>,
        %parallel_loop3A_300 = arith.constant 27 : i32
        %parallel_loop3A_301 = arith.index_cast %parallel_loop3A_300 : i32 to index
        %parallel_loop3A_302 = arith.index_cast %parallel_loop3A_157 : i32 to index
        %parallel_loop3A_303 = tpu.vector_load %arg9[%parallel_loop3A_301, %parallel_loop3A_302] {strides = array<i32>} : memref<32x1024xf32, #tpu.memory_space<vmem>>, vector<16xf32>,
        tpu.vector_store %arg9[%parallel_loop3A_301, %parallel_loop3A_302], %parallel_loop3A_283 {strides = array<i32>} : memref<32x1024xf32, #tpu.memory_space<vmem>>, vector<16xf32>,
        %parallel_loop3A_304 = arith.constant 28 : i32
        %parallel_loop3A_305 = arith.index_cast %parallel_loop3A_304 : i32 to index
        %parallel_loop3A_306 = arith.index_cast %parallel_loop3A_157 : i32 to index
        %parallel_loop3A_307 = tpu.vector_load %arg9[%parallel_loop3A_305, %parallel_loop3A_306] {strides = array<i32>} : memref<32x1024xf32, #tpu.memory_space<vmem>>, vector<16xf32>,
        tpu.vector_store %arg9[%parallel_loop3A_305, %parallel_loop3A_306], %parallel_loop3A_284 {strides = array<i32>} : memref<32x1024xf32, #tpu.memory_space<vmem>>, vector<16xf32>,
        %parallel_loop3A_308 = arith.constant 29 : i32
        %parallel_loop3A_309 = arith.index_cast %parallel_loop3A_308 : i32 to index
        %parallel_loop3A_310 = arith.index_cast %parallel_loop3A_157 : i32 to index
        %parallel_loop3A_311 = tpu.vector_load %arg9[%parallel_loop3A_309, %parallel_loop3A_310] {strides = array<i32>} : memref<32x1024xf32, #tpu.memory_space<vmem>>, vector<16xf32>,
        tpu.vector_store %arg9[%parallel_loop3A_309, %parallel_loop3A_310], %parallel_loop3A_285 {strides = array<i32>} : memref<32x1024xf32, #tpu.memory_space<vmem>>, vector<16xf32>,
        %parallel_loop3A_312 = arith.constant 30 : i32
        %parallel_loop3A_313 = arith.index_cast %parallel_loop3A_312 : i32 to index
        %parallel_loop3A_314 = arith.index_cast %parallel_loop3A_157 : i32 to index
        %parallel_loop3A_315 = tpu.vector_load %arg9[%parallel_loop3A_313, %parallel_loop3A_314] {strides = array<i32>} : memref<32x1024xf32, #tpu.memory_space<vmem>>, vector<16xf32>,
        tpu.vector_store %arg9[%parallel_loop3A_313, %parallel_loop3A_314], %parallel_loop3A_286 {strides = array<i32>} : memref<32x1024xf32, #tpu.memory_space<vmem>>, vector<16xf32>,
        %parallel_loop3A_316 = arith.constant 31 : i32
        %parallel_loop3A_317 = arith.index_cast %parallel_loop3A_316 : i32 to index
        %parallel_loop3A_318 = arith.index_cast %parallel_loop3A_157 : i32 to index
        %parallel_loop3A_319 = tpu.vector_load %arg9[%parallel_loop3A_317, %parallel_loop3A_318] {strides = array<i32>} : memref<32x1024xf32, #tpu.memory_space<vmem>>, vector<16xf32>,
        tpu.vector_store %arg9[%parallel_loop3A_317, %parallel_loop3A_318], %parallel_loop3A_287 {strides = array<i32>} : memref<32x1024xf32, #tpu.memory_space<vmem>>, vector<16xf32>,
      } {sc.loop_unroll_factor = 2 : i64, sc.parallel_access}
      %dma_start3A_147 = arith.constant 0 : i32
      %dma_start3A_148 = tpu.memref_slice %arg4[%add3A_124, %multiple_of3A, %dma_start3A_147] : memref<50x1000x1024xf32, #tpu.memory_space<hbm>> -> memref<1x32x1024xf32, #tpu.memory_space<hbm>>
      %dma_start3A_149 = tpu.memref_squeeze %dma_start3A_148 : memref<1x32x1024xf32, #tpu.memory_space<hbm>> -> memref<32x1024xf32, #tpu.memory_space<hbm>>
      %dma_start3A_150 = arith.constant 0 : i32
      %dma_start3A_151 = tpu.memref_slice %arg4[%add3A_124, %multiple_of3A, %dma_start3A_150] : memref<50x1000x1024xf32, #tpu.memory_space<hbm>> -> memref<1x32x1024xf32, #tpu.memory_space<hbm>>
      %dma_start3A_152 = tpu.memref_squeeze %dma_start3A_151 : memref<1x32x1024xf32, #tpu.memory_space<hbm>> -> memref<32x1024xf32, #tpu.memory_space<hbm>>
      tpu.enqueue_dma source(%arg9 : memref<32x1024xf32, #tpu.memory_space<vmem>>) target(%dma_start3A_152 : memref<32x1024xf32, #tpu.memory_space<hbm>>) target_semaphore(%arg13 : memref<!tpu.dma_semaphore, #tpu.memory_space<semaphore_mem>>)
      %scan3A_153 = arith.constant 0 : i32
      scf.yield %scan3A_153 : i32
    }
    %scan3A_78 = arith.constant 25 : i32
    %dma_wait3A = arith.constant 0 : i32
    %dma_wait3A_79 = arith.constant 0 : i32
    %dma_wait3A_80 = tpu.memref_slice %arg4[%dma_wait3A, %multiple_of3A, %dma_wait3A_79] : memref<50x1000x1024xf32, #tpu.memory_space<hbm>> -> memref<1x32x1024xf32, #tpu.memory_space<hbm>>
    %dma_wait3A_81 = tpu.memref_squeeze %dma_wait3A_80 : memref<1x32x1024xf32, #tpu.memory_space<hbm>> -> memref<32x1024xf32, #tpu.memory_space<hbm>>
    %dma_wait3A_82 = arith.constant 0 : i32
    %dma_wait3A_83 = tpu.memref_slice %arg4[%dma_wait3A, %multiple_of3A, %dma_wait3A_82] : memref<50x1000x1024xf32, #tpu.memory_space<hbm>> -> memref<1x32x1024xf32, #tpu.memory_space<hbm>>
    %dma_wait3A_84 = tpu.memref_squeeze %dma_wait3A_83 : memref<1x32x1024xf32, #tpu.memory_space<hbm>> -> memref<32x1024xf32, #tpu.memory_space<hbm>>
    tpu.wait_dma2 semaphore(%arg12 : memref<!tpu.dma_semaphore, #tpu.memory_space<semaphore_mem>>) src(%arg8 : memref<32x1024xf32, #tpu.memory_space<vmem>>) dst(%dma_wait3A_84 : memref<32x1024xf32, #tpu.memory_space<hbm>>)
    %dma_wait3A_85 = arith.constant 0 : i32
    %dma_wait3A_86 = arith.constant 0 : i32
    %dma_wait3A_87 = tpu.memref_slice %arg4[%dma_wait3A_85, %multiple_of3A, %dma_wait3A_86] : memref<50x1000x1024xf32, #tpu.memory_space<hbm>> -> memref<1x32x1024xf32, #tpu.memory_space<hbm>>
    %dma_wait3A_88 = tpu.memref_squeeze %dma_wait3A_87 : memref<1x32x1024xf32, #tpu.memory_space<hbm>> -> memref<32x1024xf32, #tpu.memory_space<hbm>>
    %dma_wait3A_89 = arith.constant 0 : i32
    %dma_wait3A_90 = tpu.memref_slice %arg4[%dma_wait3A_85, %multiple_of3A, %dma_wait3A_89] : memref<50x1000x1024xf32, #tpu.memory_space<hbm>> -> memref<1x32x1024xf32, #tpu.memory_space<hbm>>
    %dma_wait3A_91 = tpu.memref_squeeze %dma_wait3A_90 : memref<1x32x1024xf32, #tpu.memory_space<hbm>> -> memref<32x1024xf32, #tpu.memory_space<hbm>>
    tpu.wait_dma2 semaphore(%arg13 : memref<!tpu.dma_semaphore, #tpu.memory_space<semaphore_mem>>) src(%arg9 : memref<32x1024xf32, #tpu.memory_space<vmem>>) dst(%dma_wait3A_91 : memref<32x1024xf32, #tpu.memory_space<hbm>>)
    return
  }
}

</mosaic_0001>

<sc_bundles>
// kernel: kernel.3.cloned.1.call-start
scs
__scs_entry_jumppad:
0x0: {  	(pc) =	sbr.rel $0x88, $3  }
0x1: {  	(tag) =	ssettag $0x0;
	lr =	simm.s32 $0x1  }
0x2: {  	[smem:$0x3F9F] =	sst lr;
	_ =	strace $0xD0000000  }
0x3: {  	_ = 	snop  }
0x4: {  	_ = 	snop  }
0x5: {  	_ = 	snop  }
0x6: {  	_ = 	snop  }
0x7: {  	_ = 	snop  }
__scs_overlays_trampoline_lowered:
0x8: {  	[smem:$0x3FAE] =	sst s0  }
0x9: {  	[smem:$0x3FAF] =	sst s1  }
0xa: {  	[smem:$0x3FB0] =	sst s2  }
0xb: {  	[smem:$0x3FB1] =	sst s3  }
0xc: {  	[smem:$0x3FB2] =	sst s4  }
0xd: {  	[smem:$0x3FB3] =	sst s5  }
0xe: {  	[smem:$0x3FB4] =	sst s6  }
0xf: {  	[smem:$0x3FB5] =	sst s7  }
0x10: {  	[smem:$0x3FB6] =	sst s8  }
0x11: {  	[smem:$0x3FB7] =	sst s9;
	s0 =	simm.s32 @!p0 $0x0  }
0x12: {  	s1 =	sld [smem:$0x3F9D];
	s0 =	simm.s32 @p0 $0x1  }
0x13: {  	[smem:$0x3FB8] =	sst s0;
	s0 =	simm.s32 @!p1 $0x0  }
0x14: {  	s2 =	sld [smem:$0x3F9C];
	s0 =	simm.s32 @p1 $0x1  }
0x15: {  	[smem:$0x3FB9] =	sst s0;
	s0 =	simm.s32 @!p2 $0x0  }
0x16: {  	s3 =	sld [smem:$0x3FDB];
	s0 =	simm.s32 @p2 $0x1  }
0x17: {  	s4 =	simm.s32 $0x1BF5;
	[smem:$0x3FBB] =	sst s0  }
0x18: {  	s0 =	sld [smem:$0x3F9E];
	_ =	swait.ge [sflag:s4], $0x0  }
0x19: {  	s7 =	sld [smem:$0x3F9F]  }
0x1a: {  	s8 =	sadd.s32 $0xFFFFE003, lr  }
0x1b: {  	s9 =	sadd.s32 $0xFFFFFEF7, lr;
	s5 =	simm.s32 $0xFFFFFFFF;
	p2 =	slt.u32 s8, $0xFFFFF086  }
0x1c: {  	p1 =	slt.u32 s9, $0xF7A;
	s5 =	simm.s32 @!p2 $0x0  }
0x1d: {  	s5 =	simm.s32 @p1 $0x1;
	p0 =	seq.s32 s7, s2  }
0x1e: {  	s7 =	smul.u32 @!p0 $0xF7A, s2;
	p2 =	seq.s32 @!p0 s5, $0x0  }
0x1f: {  	s9 =	smul.u32 $0xF7A, s1;
	s8 =	simm.s32 @!p0 $0x1BF5;
	p2 =	por !p2, p0  }
0x20: {  	[sflag:s8] =	ssyncset.s32 @!p0 $0xFFFFF086;
	s6 =	sadd.s32 @!p0 s3, s7;
	s7 =	simm.s32 @!p0 $0x108  }
0x21: {  	s3 =	sadd.s32 s3, s9;
	s6 =	sadd.s32 @!p0 $0x88, s6;
	s7 =	simm.s32 @p2 $0x1082  }
0x22: {  	[simem:s7], [sflag:s8] =	dma.local @!p0 [hbm:s6], $0xF7A  }
0x23: {  	s9 =	sor.u32 $0xD0000000, s2;
	s6 =	simm.s32 $0x108;
	_ =	swait.ge @!p0 [sflag:s8], $0x0  }
0x24: {  	s3 =	sadd.s32 $0x88, s3;
	s6 =	simm.s32 @!p1 $0x1082;
	[sflag:s4] =	ssyncset.s32 $0xFFFFF086  }
0x25: {  	[simem:s6], [sflag:s4] =	dma.local [hbm:s3], $0xF7A  }
0x26: {  	[smem:$0x3F9F] =	sst s1;
	(tag) =	ssettag s2;
	_ =	strace s9  }
0x27: {  	s1 =	sld [smem:$0x3FAF]  }
0x28: {  	s2 =	sld [smem:$0x3FB0]  }
0x29: {  	s4 =	sld [smem:$0x3FB2]  }
0x2a: {  	p0 =	seq.s32 s5, $0x0;
	s5 =	sld [smem:$0x3FB3]  }
0x2b: {  	s6 =	sld [smem:$0x3FB4]  }
0x2c: {  	s7 =	sld [smem:$0x3FB5]  }
0x2d: {  	s3 =	simm.s32 $0x108;
	s8 =	sld [smem:$0x3FB6]  }
0x2e: {  	s3 =	simm.s32 @!p0 $0x1082;
	s9 =	sld [smem:$0x3FB7]  }
0x2f: {  	lr =	sadd.s32 s0, s3;
	s0 =	sld [smem:$0x3FAE]  }
0x30: {  	s3 =	sld [smem:$0x3FB1]  }
0x31: {  	[smem:$0x3FBA] =	sst s10  }
0x32: {  	s10 =	sld [smem:$0x3FB8];
	_ =	sdelay $0x3  }
0x33: {  	p0 =	seq.s32 s10, $0x1;
	s10 =	sld [smem:$0x3FBA];
	_ =	sdelay $0x3  }
0x34: {  	[smem:$0x3FBA] =	sst s10  }
0x35: {  	s10 =	sld [smem:$0x3FB9];
	_ =	sdelay $0x3  }
0x36: {  	p1 =	seq.s32 s10, $0x1;
	s10 =	sld [smem:$0x3FBA];
	_ =	sdelay $0x3  }
0x37: {  	[smem:$0x3FBA] =	sst s10  }
0x38: {  	s10 =	sld [smem:$0x3FBB]  }
0x39: {  	_ = 	snop;
	(pc) =	sbr.ind lr, $3  }
0x3a: {  	_ = 	snop  }
0x3b: {  	_ = 	snop  }
0x3c: {  	p2 =	seq.s32 s10, $0x1;
	s10 =	sld [smem:$0x3FBA]  }
0x3d: {  	_ =	shalt  }
0x3e: {  	_ =	shalt  }
0x3f: {  	_ =	shalt  }
0x40: {  	_ =	shalt  }
0x41: {  	_ =	shalt  }
0x42: {  	_ =	shalt  }
0x43: {  	_ =	shalt  }
0x44: {  	_ =	shalt  }
0x45: {  	_ =	shalt  }
0x46: {  	_ =	shalt  }
0x47: {  	_ =	shalt  }
0x48: {  	_ =	shalt  }
0x49: {  	_ =	shalt  }
0x4a: {  	_ =	shalt  }
0x4b: {  	_ =	shalt  }
0x4c: {  	_ =	shalt  }
0x4d: {  	_ =	shalt  }
0x4e: {  	_ =	shalt  }
0x4f: {  	_ =	shalt  }
0x50: {  	_ =	shalt  }
0x51: {  	_ =	shalt  }
0x52: {  	_ =	shalt  }
0x53: {  	_ =	shalt  }
0x54: {  	_ =	shalt  }
0x55: {  	_ =	shalt  }
0x56: {  	_ =	shalt  }
0x57: {  	_ =	shalt  }
0x58: {  	_ =	shalt  }
0x59: {  	_ =	shalt  }
0x5a: {  	_ =	shalt  }
0x5b: {  	_ =	shalt  }
0x5c: {  	_ =	shalt  }
0x5d: {  	_ =	shalt  }
0x5e: {  	_ =	shalt  }
0x5f: {  	_ =	shalt  }
0x60: {  	_ =	shalt  }
0x61: {  	_ =	shalt  }
0x62: {  	_ =	shalt  }
0x63: {  	_ =	shalt  }
0x64: {  	_ =	shalt  }
0x65: {  	_ =	shalt  }
0x66: {  	_ =	shalt  }
0x67: {  	_ =	shalt  }
0x68: {  	_ =	shalt  }
0x69: {  	_ =	shalt  }
0x6a: {  	_ =	shalt  }
0x6b: {  	_ =	shalt  }
0x6c: {  	_ =	shalt  }
0x6d: {  	_ =	shalt  }
0x6e: {  	_ =	shalt  }
0x6f: {  	_ =	shalt  }
0x70: {  	_ =	shalt  }
0x71: {  	_ =	shalt  }
0x72: {  	_ =	shalt  }
0x73: {  	_ =	shalt  }
0x74: {  	_ =	shalt  }
0x75: {  	_ =	shalt  }
0x76: {  	_ =	shalt  }
0x77: {  	_ =	shalt  }
0x78: {  	_ =	shalt  }
0x79: {  	_ =	shalt  }
0x7a: {  	_ =	shalt  }
0x7b: {  	_ =	shalt  }
0x7c: {  	_ =	shalt  }
0x7d: {  	_ =	shalt  }
0x7e: {  	_ =	shalt  }
0x7f: {  	_ =	shalt  }
0x80: {  	_ =	shalt  }
0x81: {  	_ =	shalt  }
0x82: {  	_ =	shalt  }
0x83: {  	_ =	shalt  }
0x84: {  	_ =	shalt  }
0x85: {  	_ =	shalt  }
0x86: {  	_ =	shalt  }
0x87: {  	_ =	shalt  }
.Lfunc_end0:
.L_simem_size_0:
called_computation_lowered:
.L_overlay_start_0:
0x88: {  	s2 =	sld [smem:$0x3FD9]  }
0x89: {  	s3 =	sld [smem:$0x3FFE];
	_ =	sdelay $0x1  }
0x8a: {  	s1 =	srdreg.scid  }
0x8b: {  	s0 =	sand.u32 $0x1, s1  }
0x8c: {  	s17 =	sshll.u32 s0, $0xA;
	s2 =	sadd.s32 s3, s2  }
0x8d: {  	s2 =	sadd.s32 s2, s17  }
0x8e: {  	[smem:$0x3FC6] =	sst s2  }
0x8f: {  	_ = 	snop  }
0x90: {  	s2 =	sld [smem:$0x3FC9]  }
0x91: {  	s18 =	sld [smem:$0x3FD0];
	(tm) =	ssettm $0x1  }
0x92: {  	s4 =	sld [smem:$0x3FFB];
	_ =	sdelay $0x3  }
0x93: {  	_ =	strace s4  }
0x94: {  	s4 =	sld [smem:$0x3FFC];
	_ =	sdelay $0x3  }
0x95: {  	_ =	strace s4  }
0x96: {  	s4 =	sld [smem:$0x3FFD];
	_ =	sdelay $0x3  }
0x97: {  	_ =	strace s4  }
0x98: {  	_ =	strace $0x8FFFFFFF  }
0x99: {  	s19 =	sld [smem:$0x3FDB];
	_ =	sdelay $0x1  }
0x9a: {  	s5 =	simm.s32 $_scs_section_size  }
0x9b: {  	s6 =	simm.s32 $_size__tile_overlayer_lowered;
	s7 =	simm.s32 $_tile_overlayer_lowered  }
0x9c: {  	s22 =	simm.s32 $0x1BFF;
	s21 =	sshll.u32 s7, $0x1;
	s4 =	sadd.s32 s5, s19  }
0x9d: {  	s8 =	simm.s32 $0x0;
	s20 =	sshll.u32 s6, $0x1;
	s6 =	sadd.s32 s21, s4  }
0x9e: {  	[timem:s8], [sflag:s22] =	dma.local [hbm:s6], s20  }
0x9f: {  	_ =	swait.ge [sflag:s22], s20  }
0xa0: {  	s5 =	ssub.s32 $0x0, s20;
	[sflag:s22] =	ssyncset.done $0x0  }
0xa1: {  	[sflag:s22] =	ssyncadd.s32 s5;
	_ =	sdelay $0x1  }
0xa2: {  	s23 =	simm.s32 $0x1B8B  }
0xa3: {  	_ =	swait.ge [sflag:s23], $0x1  }
0xa4: {  	[sflag:s23] =	ssyncset.done $0x0  }
0xa5: {  	s25 =	simm.s32 $0x1B8E;
	s24 =	sld [smem:$0x3FFE];
	[sflag:s23] =	ssyncadd.s32 $0xFFFFFFFF  }
0xa6: {  	s26 =	simm.s32 $execute0_lowered;
	[smem:$0x3FD2] =	sst s25  }
0xa7: {  	s6 =	sshll.u32 s26, $0x1;
	_ =	strace $0x80000046;
	[dreg:$0x1] =	wrdreg $0xFFFFFFFF  }
0xa8: {  	s28 =	simm.s32 $_size_execute0_lowered;
	s4 =	sadd.s32 s4, s6;
	[dreg:$0x0] =	wrdreg $0x0  }
0xa9: {  	s6 =	sshll.u32 s28, $0x1;
	[dreg:$0x2] =	wrdreg s4  }
0xaa: {  	[dreg:$0x3] =	wrdreg s6  }
0xab: {  	[dreg:$0x4] =	wrdreg $0xC0  }
0xac: {  	_ =	task [dreg:s8], $0x5FFFF  }
0xad: {  	[dreg:$0x1] =	wrdreg $0xFFFFFFFF  }
0xae: {  	[dreg:$0x0] =	wrdreg $0x60  }
0xaf: {  	[dreg:$0x2] =	wrdreg s2  }
0xb0: {  	[dreg:$0x3] =	wrdreg s24  }
0xb1: {  	[dreg:$0x4] =	wrdreg s18  }
0xb2: {  	[dreg:$0x5] =	wrdreg $0x9  }
0xb3: {  	_ =	task.clear_ibuf [dreg:s8], $0x6FFFF;
	_ =	strace $0x90000046  }
0xb4: {  	s29 =	simm.s32 $0x9;
	_ =	strace $0x80000048  }
0xb5: {  	_ =	swait.ge [sflag:s29], $0x1  }
0xb6: {  	[sflag:s29] =	ssyncadd.s32 $0xFFFFFFFF  }
0xb7: {  	_ =	strace $0x90000048  }
0xb8: {  	_ =	sfence  }
0xb9: {  	s30 =	sld [smem:$0x0];
	_ =	sdelay $0x2  }
0xba: {  	s31 =	sshll.u32 s1, $0xD;
	s1 =	sshrl.u32 s1, $0x2  }
0xbb: {  	s3 =	sand.u32 $0x4000, s31;
	s1 =	sadd.s32 s1, s30  }
0xbc: {  	s0 =	sor.u32 s3, s0;
	s1 =	sshll.u32 s1, $0x11  }
0xbd: {  	s0 =	sor.u32 s1, s0  }
0xbe: {  	s0 =	sadd.s32 $0x8F2B, s0  }
0xbf: {  	[sflag:s0] =	ssyncadd.remote.s32 $0x1  }
0xc0: {  	_ =	sfence.sel $0xFFFF  }
0xc1: {  	[dreg:$0x0] =	wrdreg $0xFFFFFFFF;
	(pc) =	sbr.abs _section_cstart, $3  }
0xc2: {  	[dreg:$0x1] =	wrdreg $0xFFFFFFFF  }
0xc3: {  	_ =	task.clear_ibuf [dreg:s8], $0x2FFFF;
	_ =	strace $0x9FFFFFFF  }
0xc4: {  	(tm) =	ssettm $0x7FFFFFFF  }
0xc5: {  	_ =	shalt  }
tec
execute0_lowered:
.L_overlay_start_1:
0x0: {  	(tag) =	ssettag $0x1  }
0x1: {  	s0 =	srdreg.scid  }
0x2: {  	s1 =	rddreg [dreg:$0x1];
	s2 =	stileid.u32;
	s0 =	sand.u32 $0x1, s0  }
0x3: {  	s4 =	simm.s32 $0x0;
	s2 =	sshll.u32 s2, $0x6;
	s3 =	sshll.u32 s0, $0x5  }
0x4: {  	[smem:$0x7FF] =	sst s4;
	s0 =	ssub.s32 $0x2, s0;
	s2 =	sor.u32 s3, s2  }
0x5: {  	_ =	strace $0x80000047;
	s5 =	sshrl.u32 s0, $0x1;
	s2 =	smin.u32 s2, $0x3C8  }
0x6: {  	s0 =	ssub.s32 s0, s5;
	s31 =	sshll.u32 s2, $0x7;
	s2 =	sshll.u32 s2, $0xA  }
0x7: {  	s0 =	smax.u32 s0, $0x1;
	s1 =	sadd.s32 s31, s1;
	[smem:$0x7FB] =	sst s2  }
0x8: {  	[smem:$0x7FD] =	sst s0;
	s1 =	sadd.s32 $0x400, s1  }
0x9: {  	s2 =	simm.s32 $0x0;
	[smem:$0x7FC] =	sst s1  }
.LBB2_1:
0xa: {  	s0 =	rddreg [dreg:$0x0];
	s1 =	simm.s32 $0x80  }
0xb: {  	s29 =	simm.s32 $0x400;
	s3 =	simm.s32 $0x8000;
	s30 =	sld [smem:$0x7FC]  }
0xc: {  	[tilespmem:s3], [sflag:$0x1] =	stream.strided.gather [hbm4b:s0+s1], $0x400, s29, s1, $0x38;
	[tilespmem:$0x18800] =	vst v63  }
0xd: {  	[smem:$0x7FA] =	sst s2;
	s31 =	simm.s32 $0x5  }
0xe: {  	[tilespmem:s4], [sflag:$0x5] =	stream.linear.gather [hbm4b:s30+s4], $0x8000, $0x38;
	[tilespmem:$0x18800] =	vst v63  }
0xf: {  	_ =	swait.ge [sflag:s31], $0x8000  }
0x10: {  	[sflag:s31] =	ssyncset.done $0x0  }
0x11: {  	s5 =	simm.s32 $0x0;
	[sflag:s31] =	ssyncadd.s32 $0xFFFF8000  }
.LBB2_2:
0x12: {  	[smem:$0x7F8] =	sst s5;
	s1 =	sshllo.u32 s5, $0x1  }
0x13: {  	s0 =	sshll.u32 s5, $0x8;
	s3 =	simm.s32 $0x1;
	s12 =	simm.s32 $0x80  }
0x14: {  	s13 =	simm.s32 $0x400;
	s14 =	simm.s32 $0x8400;
	_ =	swait.ge [sflag:s3], $0x400  }
0x15: {  	p0 =	seq.s32 s5, $0x0;
	[smem:$0x7F7] =	sst s1;
	[sflag:s3] =	ssyncset.done $0x0  }
0x16: {  	s0 =	sand.u32 $0x1C00, s0;
	s1 =	sshll.u32 s1, $0x4;
	s2 =	rddreg [dreg:$0x0]  }
0x17: {  	s15 =	simm.s32 $0x0;
	s1 =	sand.u32 $0x70, s1;
	s0 =	sadd.s32 s2, s0  }
0x18: {  	[sflag:s3] =	ssyncadd.s32 $0xFFFFFC00;
	s3 =	simm.s32 @!p0 $0x3;
	s0 =	sadd.s32 s1, s0  }
0x19: {  	[tilespmem:s14], [sflag:$0x2] =	stream.strided.gather [hbm4b:s0+s12], $0x400, s13, s12, $0x38;
	[tilespmem:$0x18800] =	vst v63  }
0x1a: {  	s1 =	sand.u32 $0x60, s15;
	_ =	swait.ge @!p0 [sflag:s3], $0x8000  }
0x1b: {  	s16 =	sand.u32 $0x380, s15;
	s2 =	sor.u32 $0x10, s1;
	[sflag:s3] =	ssyncset.done @!p0 $0x0  }
0x1c: {  	s17 =	sor.u32 s2, s16;
	[sflag:s3] =	ssyncadd.s32 @!p0 $0xFFFF8000  }
0x1d: {  	v0 =	vld [tilespmem:s17+$0x8000];
	_ =	sdelay $0x4  }
0x1e: {  	v1 =	vshll.u32 v0, $0x3  }
0x1f: {  	v0 =	vand.u32 $0x7F, v0;
	v1 =	vand.u32 $0xFFFFFC00, v1  }
0x20: {  	v1 =	vor.u32 v0, v1  }
0x21: {  	v0 =	vor.u32 $0x80, v1  }
0x22: {  	v2 =	vor.u32 $0x100, v1  }
0x23: {  	v3 =	vor.u32 $0x180, v1  }
0x24: {  	v4 =	vor.u32 $0x200, v1  }
0x25: {  	v6 =	vor.u32 $0x280, v1;
	v5 =	vld.idx.msk [tilespmem:v1+s4+$0x0], $0xffff  }
0x26: {  	v7 =	vor.u32 $0x300, v1;
	v0 =	vld.idx.msk [tilespmem:v0+s4+$0x0], $0xffff  }
0x27: {  	v8 =	vor.u32 $0x380, v1;
	v2 =	vld.idx.msk [tilespmem:v2+s4+$0x0], $0xffff  }
0x28: {  	v3 =	vld.idx.msk [tilespmem:v3+s4+$0x0], $0xffff  }
0x29: {  	s3 =	sand.u32 $0x1C00, s15;
	v4 =	vld.idx.msk [tilespmem:v4+s4+$0x0], $0xffff  }
0x2a: {  	s7 =	sadd.s32 $0x8800, s3;
	v6 =	vld.idx.msk [tilespmem:v6+s4+$0x0], $0xffff  }
0x2b: {  	s6 =	sor.u32 s2, s7;
	v7 =	vld.idx.msk [tilespmem:v7+s4+$0x0], $0xffff  }
0x2c: {  	v8 =	vld.idx.msk [tilespmem:v8+s4+$0x0], $0xffff;
	[tilespmem:s6+$0x0] =	vst v5  }
0x2d: {  	s18 =	sand.u32 $0x3, s15;
	[tilespmem:s6+$0x80] =	vst v0  }
0x2e: {  	s5 =	sshll.u32 s18, $0x5;
	[tilespmem:s6+$0x100] =	vst v2  }
0x2f: {  	s8 =	simm.s32 $0x8000;
	s5 =	sadd.s32 $0x0, s5;
	v9 =	vadd.s32 $0x2300, v1;
	[tilespmem:s6+$0x180] =	vst v3  }
0x30: {  	s19 =	sadd.s32 $0x10, s5;
	v0 =	vadd.s32 $0x2000, v1;
	v2 =	vld [tilespmem:s8+$0x0];
	[tilespmem:s6+$0x200] =	vst v4  }
0x31: {  	s20 =	sor.u32 $0x300, s19;
	v3 =	vadd.s32 $0x2080, v1;
	[tilespmem:s6+$0x280] =	vst v6  }
0x32: {  	s21 =	sor.u32 $0x380, s19;
	v4 =	vadd.s32 $0x2100, v1;
	[tilespmem:s20+$0x8800] =	vst v7  }
0x33: {  	v5 =	vadd.s32 $0x2180, v1;
	[tilespmem:s21+$0x8800] =	vst v8  }
0x34: {  	v10 =	vadd.s32 $0x2380, v1;
	v9 =	vld.idx.msk [tilespmem:v9+s4+$0x0], $0xffff  }
0x35: {  	v6 =	vadd.s32 $0x2200, v1;
	v7 =	vld.idx.msk [tilespmem:v0+s4+$0x0], $0xffff;
	v0 =	vshll.u32 v2, $0x3  }
0x36: {  	v8 =	vadd.s32 $0x2280, v1;
	v3 =	vld.idx.msk [tilespmem:v3+s4+$0x0], $0xffff;
	v2 =	vand.u32 $0x7F, v2;
	v0 =	vand.u32 $0xFFFFFC00, v0  }
0x37: {  	v4 =	vld.idx.msk [tilespmem:v4+s4+$0x0], $0xffff;
	v0 =	vor.u32 v2, v0  }
0x38: {  	v2 =	vld.idx.msk [tilespmem:v5+s4+$0x0], $0xffff;
	v5 =	vor.u32 $0x80, v0  }
0x39: {  	s11 =	sadd.s32 $0xA800, s3;
	v10 =	vld.idx.msk [tilespmem:v10+s4+$0x0], $0xffff;
	v11 =	vor.u32 $0x100, v0  }
0x3a: {  	s22 =	sor.u32 s2, s11;
	s6 =	sadd.s32 $0xA880, s3;
	v6 =	vld.idx.msk [tilespmem:v6+s4+$0x0], $0xffff;
	v12 =	vor.u32 $0x180, v0  }
0x3b: {  	s17 =	sadd.s32 $0xA900, s3;
	s23 =	sor.u32 s2, s6;
	v8 =	vld.idx.msk [tilespmem:v8+s4+$0x0], $0xffff;
	v13 =	vor.u32 $0x200, v0;
	[tilespmem:s22+$0x0] =	vst v7  }
0x3c: {  	s13 =	sadd.s32 $0xA980, s3;
	s24 =	sor.u32 s2, s17;
	v15 =	vor.u32 $0x280, v0;
	[tilespmem:s23+$0x0] =	vst v3;
	v14 =	vld.idx.msk [tilespmem:v0+s4+$0x0], $0xffff  }
0x3d: {  	s14 =	sadd.s32 $0xAA00, s3;
	s25 =	sor.u32 s2, s13;
	v7 =	vor.u32 $0x300, v0;
	[tilespmem:s24+$0x0] =	vst v4;
	v5 =	vld.idx.msk [tilespmem:v5+s4+$0x0], $0xffff  }
0x3e: {  	s16 =	sadd.s32 $0xAA80, s3;
	s26 =	sor.u32 s2, s14;
	v3 =	vld.idx.msk [tilespmem:v11+s4+$0x0], $0xffff;
	v11 =	vor.u32 $0x380, v0;
	[tilespmem:s25+$0x0] =	vst v2  }
0x3f: {  	s18 =	sadd.s32 $0xAB00, s3;
	s29 =	sor.u32 s2, s16;
	v4 =	vld.idx.msk [tilespmem:v12+s4+$0x0], $0xffff;
	v2 =	vadd.s32 $0x4000, v1;
	[tilespmem:s26+$0x0] =	vst v6  }
0x40: {  	s19 =	sadd.s32 $0xAB80, s3;
	s31 =	sor.u32 s2, s18;
	v12 =	vld.idx.msk [tilespmem:v13+s4+$0x0], $0xffff;
	v6 =	vadd.s32 $0x4080, v1;
	[tilespmem:s29+$0x0] =	vst v8  }
0x41: {  	s9 =	sor.u32 s2, s19;
	v13 =	vld.idx.msk [tilespmem:v15+s4+$0x0], $0xffff;
	v8 =	vadd.s32 $0x4100, v1;
	[tilespmem:s31+$0x0] =	vst v9  }
0x42: {  	s7 =	sor.u32 s1, s7;
	v7 =	vld.idx.msk [tilespmem:v7+s4+$0x0], $0xffff;
	v9 =	vadd.s32 $0x4180, v1;
	[tilespmem:s9+$0x0] =	vst v10  }
0x43: {  	v10 =	vadd.s32 $0x4200, v1;
	v11 =	vld.idx.msk [tilespmem:v11+s4+$0x0], $0xffff;
	[tilespmem:s7+$0x80] =	vst v5  }
0x44: {  	v2 =	vld.idx.msk [tilespmem:v2+s4+$0x0], $0xffff;
	v5 =	vadd.s32 $0x4280, v1;
	[tilespmem:s7+$0x100] =	vst v3  }
0x45: {  	[tilespmem:s7+$0x180] =	vst v4;
	v3 =	vld.idx.msk [tilespmem:v6+s4+$0x0], $0xffff;
	v6 =	vadd.s32 $0x4300, v1  }
0x46: {  	[tilespmem:s7+$0x200] =	vst v12;
	v4 =	vld.idx.msk [tilespmem:v8+s4+$0x0], $0xffff;
	v8 =	vadd.s32 $0x4380, v1  }
0x47: {  	[tilespmem:s7+$0x280] =	vst v13;
	v9 =	vld.idx.msk [tilespmem:v9+s4+$0x0], $0xffff  }
0x48: {  	s5 =	sor.u32 $0x300, s5;
	s0 =	sor.u32 s15, s15;
	[tilespmem:s7+$0x0] =	vst v14;
	v10 =	vld.idx.msk [tilespmem:v10+s4+$0x0], $0xffff  }
0x49: {  	s0 =	sor.u32 $0x380, s0;
	s28 =	sadd.s32 $0xC800, s3;
	[tilespmem:s5+$0x8800] =	vst v7;
	v5 =	vld.idx.msk [tilespmem:v5+s4+$0x0], $0xffff  }
0x4a: {  	s10 =	sor.u32 s2, s28;
	s8 =	sadd.s32 $0xC880, s3;
	[tilespmem:s0+$0x8800] =	vst v11;
	v6 =	vld.idx.msk [tilespmem:v6+s4+$0x0], $0xffff  }
0x4b: {  	s12 =	sor.u32 s2, s8;
	s7 =	sadd.s32 $0xC900, s3;
	v7 =	vld.idx.msk [tilespmem:v8+s4+$0x0], $0xffff;
	[tilespmem:s10+$0x0] =	vst v2;
	v2 =	vadd.s32 $0x2000, v0  }
0x4c: {  	s30 =	sadd.s32 $0xCA00, s3;
	s9 =	sadd.s32 $0xC980, s3;
	s15 =	sor.u32 s2, s7;
	[tilespmem:s12+$0x0] =	vst v3;
	v3 =	vadd.s32 $0x2080, v0  }
0x4d: {  	s21 =	sor.u32 s2, s30;
	s20 =	sor.u32 s2, s9;
	s0 =	simm.s32 $0x20;
	[tilespmem:s15+$0x0] =	vst v4  }
0x4e: {  	s22 =	simm.s32 $0x8020;
	s26 =	sand.u32 $0x380, s0;
	s15 =	sadd.s32 $0xCA80, s3;
	v4 =	vadd.s32 $0x6000, v1;
	[tilespmem:s20+$0x0] =	vst v9  }
0x4f: {  	v8 =	vadd.s32 $0x6080, v1;
	s20 =	sadd.s32 $0xCB00, s3;
	s23 =	sor.u32 s2, s15;
	v9 =	vld [tilespmem:s22+$0x0];
	s22 =	sand.u32 $0x60, s0;
	[tilespmem:s21+$0x0] =	vst v10  }
0x50: {  	v11 =	vadd.s32 $0x6300, v1;
	s21 =	sadd.s32 $0xCB80, s3;
	s24 =	sor.u32 s2, s20;
	[tilespmem:s23+$0x0] =	vst v5;
	v10 =	vld.idx.msk [tilespmem:v2+s4+$0x0], $0xffff;
	s23 =	sor.u32 $0x10, s22  }
0x51: {  	v5 =	vadd.s32 $0x6100, v1;
	s25 =	sor.u32 s2, s21;
	[tilespmem:s24+$0x0] =	vst v6;
	v3 =	vld.idx.msk [tilespmem:v3+s4+$0x0], $0xffff;
	s5 =	sor.u32 s23, s26  }
0x52: {  	v2 =	vadd.s32 $0x6180, v1;
	[tilespmem:s25+$0x0] =	vst v7;
	v13 =	vld [tilespmem:s5+$0x8000]  }
0x53: {  	v6 =	vadd.s32 $0x6200, v1;
	v4 =	vld.idx.msk [tilespmem:v4+s4+$0x0], $0xffff  }
0x54: {  	v7 =	vadd.s32 $0x6280, v1;
	v8 =	vld.idx.msk [tilespmem:v8+s4+$0x0], $0xffff  }
0x55: {  	v1 =	vadd.s32 $0x6380, v1;
	v11 =	vld.idx.msk [tilespmem:v11+s4+$0x0], $0xffff  }
0x56: {  	v14 =	vadd.s32 $0x2180, v0;
	v5 =	vld.idx.msk [tilespmem:v5+s4+$0x0], $0xffff  }
0x57: {  	v12 =	vld.idx.msk [tilespmem:v2+s4+$0x0], $0xffff;
	v2 =	vadd.s32 $0x2100, v0  }
0x58: {  	v15 =	vadd.s32 $0x2200, v0;
	s24 =	sadd.s32 $0xE800, s3;
	v6 =	vld.idx.msk [tilespmem:v6+s4+$0x0], $0xffff  }
0x59: {  	v16 =	vadd.s32 $0x2280, v0;
	s25 =	sadd.s32 $0xE880, s3;
	s29 =	sor.u32 s2, s24;
	v7 =	vld.idx.msk [tilespmem:v7+s4+$0x0], $0xffff  }
0x5a: {  	v17 =	vadd.s32 $0x2300, v0;
	s26 =	sadd.s32 $0xE900, s3;
	s31 =	sor.u32 s2, s25;
	v19 =	vld.idx.msk [tilespmem:v1+s4+$0x0], $0xffff;
	[tilespmem:s29+$0x0] =	vst v4  }
0x5b: {  	v18 =	vadd.s32 $0x2380, v0;
	s10 =	sor.u32 s2, s26;
	v1 =	vshll.u32 v9, $0x3;
	s29 =	sadd.s32 $0xE980, s3;
	[tilespmem:s31+$0x0] =	vst v8;
	v8 =	vld.idx.msk [tilespmem:v14+s4+$0x0], $0xffff  }
0x5c: {  	s5 =	sadd.s32 $0xEA00, s3;
	v1 =	vand.u32 $0xFFFFFC00, v1;
	v4 =	vshll.u32 v13, $0x3;
	v20 =	vld.idx.msk [tilespmem:v2+s4+$0x0], $0xffff;
	v2 =	vand.u32 $0x7F, v9;
	[tilespmem:s10+$0x0] =	vst v5;
	s10 =	sor.u32 s2, s29  }
0x5d: {  	s12 =	sor.u32 s2, s5;
	v4 =	vand.u32 $0xFFFFFC00, v4;
	v5 =	vld.idx.msk [tilespmem:v15+s4+$0x0], $0xffff;
	v1 =	vor.u32 v2, v1;
	v2 =	vand.u32 $0x7F, v13;
	[tilespmem:s10+$0x0] =	vst v12;
	s10 =	sadd.s32 $0xEA80, s3  }
0x5e: {  	v2 =	vor.u32 v2, v4;
	v4 =	vld.idx.msk [tilespmem:v16+s4+$0x0], $0xffff;
	[tilespmem:s12+$0x0] =	vst v6;
	s31 =	sor.u32 s2, s10  }
0x5f: {  	s11 =	sor.u32 s1, s11;
	v6 =	vld.idx.msk [tilespmem:v17+s4+$0x0], $0xffff;
	s12 =	sadd.s32 $0xEB00, s3;
	v9 =	vor.u32 $0x80, v2;
	[tilespmem:s31+$0x0] =	vst v7  }
0x60: {  	v12 =	vor.u32 $0x100, v2;
	v7 =	vld.idx.msk [tilespmem:v18+s4+$0x0], $0xffff;
	s31 =	sor.u32 s2, s12;
	[tilespmem:s11+$0x0] =	vst v10  }
0x61: {  	s6 =	sor.u32 s1, s6;
	v13 =	vor.u32 $0x180, v2;
	[tilespmem:s31+$0x0] =	vst v11  }
0x62: {  	s3 =	sadd.s32 $0xEB80, s3;
	v14 =	vor.u32 $0x200, v2;
	s11 =	sor.u32 s1, s17;
	[tilespmem:s6+$0x0] =	vst v3;
	v11 =	vld.idx.msk [tilespmem:v1+s4+$0x0], $0xffff  }
0x63: {  	v15 =	vor.u32 $0x280, v2;
	s2 =	sor.u32 s2, s3;
	[tilespmem:s11+$0x0] =	vst v20;
	v10 =	vld.idx.msk [tilespmem:v2+s4+$0x0], $0xffff  }
0x64: {  	s13 =	sor.u32 s1, s13;
	v16 =	vor.u32 $0x380, v2;
	[tilespmem:s2+$0x0] =	vst v19;
	v3 =	vld.idx.msk [tilespmem:v9+s4+$0x0], $0xffff  }
0x65: {  	s14 =	sor.u32 s1, s14;
	[tilespmem:s13+$0x0] =	vst v8;
	v9 =	vor.u32 $0x300, v2;
	v12 =	vld.idx.msk [tilespmem:v12+s4+$0x0], $0xffff  }
0x66: {  	s16 =	sor.u32 s1, s16;
	s17 =	simm.s32 $0x100;
	v8 =	vor.u32 $0x80, v1;
	[tilespmem:s14+$0x0] =	vst v5;
	v13 =	vld.idx.msk [tilespmem:v13+s4+$0x0], $0xffff  }
0x67: {  	s18 =	sor.u32 s1, s18;
	v17 =	vor.u32 $0x100, v1;
	s6 =	sand.u32 $0x1C00, s17;
	v5 =	vld.idx.msk [tilespmem:v14+s4+$0x0], $0xffff;
	[tilespmem:s16+$0x0] =	vst v4  }
0x68: {  	s31 =	sor.u32 s1, s19;
	v14 =	vor.u32 $0x180, v1;
	v4 =	vld.idx.msk [tilespmem:v15+s4+$0x0], $0xffff;
	s16 =	sadd.s32 $0x8800, s6;
	[tilespmem:s18+$0x0] =	vst v6  }
0x69: {  	v15 =	vor.u32 $0x200, v1;
	s14 =	sor.u32 s23, s16;
	[tilespmem:s31+$0x0] =	vst v7;
	v7 =	vld.idx.msk [tilespmem:v16+s4+$0x0], $0xffff  }
0x6a: {  	s19 =	simm.s32 $0x1;
	v16 =	vor.u32 $0x280, v1;
	v6 =	vld.idx.msk [tilespmem:v9+s4+$0x0], $0xffff;
	[tilespmem:s14+$0x0] =	vst v10  }
0x6b: {  	s31 =	sand.u32 $0x3, s19;
	v8 =	vld.idx.msk [tilespmem:v8+s4+$0x0], $0xffff;
	v9 =	vadd.s32 $0x4000, v0;
	[tilespmem:s14+$0x80] =	vst v3  }
0x6c: {  	s13 =	sshll.u32 s31, $0x5;
	v10 =	vld.idx.msk [tilespmem:v17+s4+$0x0], $0xffff;
	v17 =	vor.u32 $0x300, v1;
	[tilespmem:s14+$0x100] =	vst v12  }
0x6d: {  	v18 =	vor.u32 $0x380, v1;
	s18 =	sadd.s32 $0x100, s13;
	v14 =	vld.idx.msk [tilespmem:v14+s4+$0x0], $0xffff;
	[tilespmem:s14+$0x180] =	vst v13  }
0x6e: {  	v12 =	vld.idx.msk [tilespmem:v15+s4+$0x0], $0xffff;
	v13 =	vadd.s32 $0x2000, v2;
	[tilespmem:s14+$0x200] =	vst v5;
	s13 =	sadd.s32 $0x10, s18  }
0x6f: {  	v5 =	vadd.s32 $0x2080, v2;
	[tilespmem:s14+$0x280] =	vst v4;
	s14 =	sor.u32 $0x300, s13;
	v4 =	vld.idx.msk [tilespmem:v16+s4+$0x0], $0xffff  }
0x70: {  	s31 =	sor.u32 $0x380, s13;
	v3 =	vld.idx.msk [tilespmem:v9+s4+$0x0], $0xffff;
	[tilespmem:s14+$0x8800] =	vst v6  }
0x71: {  	s11 =	sor.u32 s1, s9;
	v6 =	vld.idx.msk [tilespmem:v17+s4+$0x0], $0xffff;
	[tilespmem:s31+$0x8800] =	vst v7  }
0x72: {  	s2 =	sor.u32 s22, s16;
	v9 =	vld.idx.msk [tilespmem:v18+s4+$0x0], $0xffff;
	[dreg:$0xd] =	wrdreg s11  }
0x73: {  	s21 =	sor.u32 s1, s21;
	v15 =	vadd.s32 $0x2100, v2;
	v17 =	vld.idx.msk [tilespmem:v13+s4+$0x0], $0xffff;
	[tilespmem:s2+$0x80] =	vst v8  }
0x74: {  	s24 =	sor.u32 s1, s24;
	v5 =	vld.idx.msk [tilespmem:v5+s4+$0x0], $0xffff;
	[dreg:$0xc] =	wrdreg s21  }
0x75: {  	s25 =	sor.u32 s1, s25;
	v16 =	vadd.s32 $0x2180, v2;
	[dreg:$0x6] =	wrdreg s24  }
0x76: {  	s8 =	sor.u32 s1, s8;
	v7 =	vadd.s32 $0x2200, v2;
	[dreg:$0x4] =	wrdreg s25  }
0x77: {  	s9 =	sor.u32 s1, s15;
	s16 =	sor.u32 s1, s30;
	s31 =	sor.u32 s1, s26;
	[tilespmem:s2+$0x100] =	vst v10  }
0x78: {  	s30 =	sor.u32 s1, s10;
	s13 =	sor.u32 s1, s28;
	v13 =	vadd.s32 $0x2280, v2;
	v10 =	vld.idx.msk [tilespmem:v15+s4+$0x0], $0xffff;
	[dreg:$0x5] =	wrdreg s31  }
0x79: {  	s28 =	sor.u32 s1, s29;
	s14 =	sor.u32 s1, s7;
	s11 =	sor.u32 s1, s20;
	v8 =	vadd.s32 $0x2300, v2;
	[tilespmem:s2+$0x180] =	vst v14  }
0x7a: {  	s24 =	sor.u32 s1, s5;
	s25 =	sor.u32 s1, s12;
	s1 =	sor.u32 s1, s3;
	v15 =	vadd.s32 $0x2380, v2;
	v14 =	vld.idx.msk [tilespmem:v16+s4+$0x0], $0xffff;
	[tilespmem:s2+$0x200] =	vst v12  }
0x7b: {  	v12 =	vld.idx.msk [tilespmem:v7+s4+$0x0], $0xffff;
	[dreg:$0x7] =	wrdreg s1  }
0x7c: {  	[tilespmem:s2+$0x280] =	vst v4  }
0x7d: {  	s15 =	sadd.s32 $0xA800, s6;
	s18 =	sor.u32 $0x300, s18;
	s7 =	sadd.s32 $0xAA00, s6;
	v4 =	vld.idx.msk [tilespmem:v13+s4+$0x0], $0xffff;
	[tilespmem:s2+$0x0] =	vst v11  }
0x7e: {  	s20 =	sadd.s32 $0xA880, s6;
	s12 =	sor.u32 s17, s0;
	s1 =	sor.u32 s23, s15;
	v63 =	vld.idx.msk [tilespmem:v8+s4+$0x0], $0xffff;
	[tilespmem:s18+$0x8800] =	vst v6  }
0x7f: {  	v19 =	vadd.s32 $0x4180, v0;
	s29 =	sor.u32 s23, s20;
	s21 =	sadd.s32 $0xA900, s6;
	s26 =	sor.u32 $0x380, s12;
	v13 =	vld.idx.msk [tilespmem:v15+s4+$0x0], $0xffff;
	[tilespmem:s1+$0x0] =	vst v17  }
0x80: {  	v18 =	vadd.s32 $0x4080, v0;
	s12 =	sor.u32 s22, s15;
	s31 =	sadd.s32 $0xA980, s6;
	s2 =	sor.u32 s23, s21;
	[tilespmem:s29+$0x0] =	vst v5  }
0x81: {  	s5 =	sor.u32 s22, s21;
	v16 =	vadd.s32 $0x4100, v0;
	s15 =	sor.u32 s22, s20;
	s20 =	sor.u32 s23, s31;
	[tilespmem:s2+$0x0] =	vst v10  }
0x82: {  	v21 =	vadd.s32 $0x4280, v0;
	s10 =	sor.u32 s22, s31;
	s21 =	sadd.s32 $0xAA80, s6;
	s29 =	sor.u32 s23, s7;
	[tilespmem:s20+$0x0] =	vst v14  }
0x83: {  	s31 =	sadd.s32 $0xAB00, s6;
	v11 =	vadd.s32 $0x4200, v0;
	s18 =	sor.u32 s22, s7;
	s7 =	sor.u32 s23, s21;
	[tilespmem:s29+$0x0] =	vst v12  }
0x84: {  	v8 =	vld.idx.msk [tilespmem:v19+s4+$0x0], $0xffff;
	v15 =	vadd.s32 $0x4300, v0;
	s20 =	sor.u32 s22, s21;
	s21 =	sor.u32 s22, s31;
	s31 =	sor.u32 s23, s31;
	[tilespmem:s7+$0x0] =	vst v4  }
0x85: {  	v6 =	vld.idx.msk [tilespmem:v18+s4+$0x0], $0xffff;
	v5 =	vadd.s32 $0x4380, v0;
	[tilespmem:s31+$0x0] =	vst v63  }
0x86: {  	v7 =	vld.idx.msk [tilespmem:v16+s4+$0x0], $0xffff;
	s1 =	sld [smem:$0x7F8]  }
0x87: {  	v10 =	vld.idx.msk [tilespmem:v21+s4+$0x0], $0xffff  }
0x88: {  	v11 =	vld.idx.msk [tilespmem:v11+s4+$0x0], $0xffff;
	s29 =	sadd.s32 $0xAB80, s6  }
0x89: {  	s3 =	simm.s32 $0x2;
	v14 =	vadd.s32 $0x4000, v2;
	v4 =	vld.idx.msk [tilespmem:v15+s4+$0x0], $0xffff;
	s7 =	sor.u32 s22, s29;
	s1 =	sshll.u32 s1, $0x1  }
0x8a: {  	v17 =	vadd.s32 $0x4100, v2;
	v16 =	vadd.s32 $0x4080, v2;
	s2 =	sor.u32 s23, s29;
	v15 =	vadd.s32 $0x4180, v2;
	v5 =	vld.idx.msk [tilespmem:v5+s4+$0x0], $0xffff;
	[smem:$0x7F9] =	sst s1;
	s1 =	simm.s32 $0x8040  }
.LBB2_3:
0x8b: {  	_ =	sdelay $0x1  }
0x8c: {  	v12 =	vld [tilespmem:s1+$0x0];
	[tilespmem:s2+$0x0] =	vst v13;
	v13 =	vadd.s32 $0x4200, v2  }
0x8d: {  	[tilespmem:s26+$0x8800] =	vst v9;
	v18 =	vadd.s32 $0x4300, v2;
	v9 =	vld.idx.msk [tilespmem:v14+s4+$0x0], $0xffff  }
0x8e: {  	[dreg:$0x1d] =	wrdreg s10;
	v14 =	vadd.s32 $0x4280, v2;
	v16 =	vld.idx.msk [tilespmem:v16+s4+$0x0], $0xffff;
	[tilespmem:s13+$0x0] =	vst v3  }
0x8f: {  	[dreg:$0x15] =	wrdreg s24;
	v17 =	vld.idx.msk [tilespmem:v17+s4+$0x0], $0xffff;
	v3 =	vadd.s32 $0x4380, v2;
	[tilespmem:s8+$0x0] =	vst v6  }
0x90: {  	s24 =	rddreg [dreg:$0xd];
	v15 =	vld.idx.msk [tilespmem:v15+s4+$0x0], $0xffff;
	v6 =	vadd.s32 $0x2000, v1;
	[tilespmem:s14+$0x0] =	vst v7  }
0x91: {  	[dreg:$0x1b] =	wrdreg s28;
	v7 =	vadd.s32 $0x2080, v1;
	[tilespmem:s24+$0x0] =	vst v8;
	v13 =	vld.idx.msk [tilespmem:v13+s4+$0x0], $0xffff  }
0x92: {  	[dreg:$0x17] =	wrdreg s25;
	s25 =	sadd.s32 $0xC800, s6;
	v8 =	vadd.s32 $0x2100, v1;
	[tilespmem:s16+$0x0] =	vst v11;
	v18 =	vld.idx.msk [tilespmem:v18+s4+$0x0], $0xffff  }
0x93: {  	[dreg:$0x1a] =	wrdreg s7;
	s26 =	sadd.s32 $0xC880, s6;
	s2 =	sor.u32 s23, s25;
	v11 =	vadd.s32 $0x2180, v1;
	v14 =	vld.idx.msk [tilespmem:v14+s4+$0x0], $0xffff;
	[tilespmem:s9+$0x0] =	vst v10  }
0x94: {  	s10 =	smov.u32 s5;
	s31 =	sadd.s32 $0xC900, s6;
	s7 =	sor.u32 s23, s26;
	v10 =	vadd.s32 $0x2200, v1;
	v19 =	vld.idx.msk [tilespmem:v3+s4+$0x0], $0xffff;
	[tilespmem:s2+$0x0] =	vst v9  }
0x95: {  	s29 =	sor.u32 s22, s26;
	s13 =	sor.u32 s23, s31;
	s8 =	sadd.s32 $0xC980, s6;
	v9 =	vadd.s32 $0x2280, v1;
	v3 =	vld.idx.msk [tilespmem:v6+s4+$0x0], $0xffff;
	[tilespmem:s7+$0x0] =	vst v16  }
0x96: {  	[dreg:$0x10] =	wrdreg s29;
	s29 =	sor.u32 s23, s8;
	s24 =	sadd.s32 $0xCA00, s6;
	v16 =	vadd.s32 $0x2300, v1;
	v6 =	vld.idx.msk [tilespmem:v7+s4+$0x0], $0xffff;
	[tilespmem:s13+$0x0] =	vst v17  }
0x97: {  	s28 =	sadd.s32 $0xCA80, s6;
	s5 =	sor.u32 s22, s31;
	s31 =	sor.u32 s23, s24;
	v7 =	vld.idx.msk [tilespmem:v8+s4+$0x0], $0xffff;
	[tilespmem:s29+$0x0] =	vst v15;
	v8 =	vadd.s32 $0x6000, v2  }
0x98: {  	s14 =	sor.u32 s22, s8;
	s9 =	sadd.s32 $0xCB00, s6;
	s13 =	sor.u32 s23, s28;
	v11 =	vld.idx.msk [tilespmem:v11+s4+$0x0], $0xffff;
	[tilespmem:s31+$0x0] =	vst v13;
	v13 =	vadd.s32 $0x6080, v2  }
0x99: {  	[dreg:$0xd] =	wrdreg s14;
	s14 =	sor.u32 s23, s9;
	s29 =	sadd.s32 $0xCB80, s6;
	v15 =	vadd.s32 $0x6180, v2;
	v10 =	vld.idx.msk [tilespmem:v10+s4+$0x0], $0xffff;
	[tilespmem:s13+$0x0] =	vst v14  }
0x9a: {  	s31 =	sor.u32 s23, s29;
	v14 =	vadd.s32 $0x6100, v2;
	v9 =	vld.idx.msk [tilespmem:v9+s4+$0x0], $0xffff;
	[tilespmem:s14+$0x0] =	vst v18  }
0x9b: {  	v17 =	vadd.s32 $0x6200, v2;
	v16 =	vld.idx.msk [tilespmem:v16+s4+$0x0], $0xffff;
	[tilespmem:s31+$0x0] =	vst v19  }
0x9c: {  	[dreg:$0x1e] =	wrdreg s15;
	s8 =	sor.u32 s22, s28;
	v18 =	vadd.s32 $0x6280, v2;
	v8 =	vld.idx.msk [tilespmem:v8+s4+$0x0], $0xffff  }
0x9d: {  	s0 =	sadd.s32 $0x20, s0;
	s15 =	sor.u32 s22, s25;
	[dreg:$0x16] =	wrdreg s8;
	[tilespmem:s11+$0x0] =	vst v4;
	v4 =	vld.idx.msk [tilespmem:v13+s4+$0x0], $0xffff;
	v13 =	vadd.s32 $0x6300, v2  }
0x9e: {  	s25 =	smov.u32 s21;
	s21 =	sor.u32 s22, s24;
	s7 =	rddreg [dreg:$0xc];
	v15 =	vld.idx.msk [tilespmem:v15+s4+$0x0], $0xffff;
	v2 =	vadd.s32 $0x6380, v2  }
0x9f: {  	s24 =	smov.u32 s20;
	s20 =	smov.u32 s18;
	s28 =	sor.u32 s22, s9;
	[tilespmem:s7+$0x0] =	vst v5;
	v5 =	vld.idx.msk [tilespmem:v14+s4+$0x0], $0xffff;
	v14 =	vadd.s32 $0x2380, v1  }
0xa0: {  	s18 =	smov.u32 s12;
	s9 =	sadd.s32 $0xE800, s6;
	s12 =	smov.u32 s28;
	v19 =	vadd.s32 $0x6000, v0;
	v17 =	vld.idx.msk [tilespmem:v17+s4+$0x0], $0xffff  }
0xa1: {  	v20 =	vadd.s32 $0x6080, v0;
	s26 =	sor.u32 s22, s9;
	s2 =	sor.u32 s23, s9;
	s9 =	smov.u32 s30;
	v18 =	vld.idx.msk [tilespmem:v18+s4+$0x0], $0xffff  }
0xa2: {  	v21 =	vadd.s32 $0x6100, v0;
	s30 =	sadd.s32 $0xE900, s6;
	s16 =	sor.u32 s22, s29;
	s11 =	sadd.s32 $0xE880, s6;
	v13 =	vld.idx.msk [tilespmem:v13+s4+$0x0], $0xffff  }
0xa3: {  	s29 =	sor.u32 s22, s30;
	s8 =	smov.u32 s16;
	s13 =	sor.u32 s23, s11;
	v2 =	vld.idx.msk [tilespmem:v2+s4+$0x0], $0xffff;
	[tilespmem:s2+$0x0] =	vst v8;
	v8 =	vadd.s32 $0x6180, v0  }
0xa4: {  	s16 =	sadd.s32 $0xEA00, s6;
	s14 =	sor.u32 s23, s30;
	s31 =	sadd.s32 $0xE980, s6;
	v14 =	vld.idx.msk [tilespmem:v14+s4+$0x0], $0xffff;
	[tilespmem:s13+$0x0] =	vst v4;
	v4 =	vadd.s32 $0x6200, v0  }
0xa5: {  	[dreg:$0xc] =	wrdreg s8;
	s30 =	sor.u32 s22, s31;
	s31 =	sor.u32 s23, s31;
	[tilespmem:s14+$0x0] =	vst v5;
	v5 =	vld.idx.msk [tilespmem:v19+s4+$0x0], $0xffff;
	v19 =	vadd.s32 $0x6280, v0  }
0xa6: {  	s28 =	sor.u32 s22, s11;
	s11 =	sadd.s32 $0xEA80, s6;
	s7 =	sor.u32 s23, s16;
	[tilespmem:s31+$0x0] =	vst v15;
	v15 =	vld.idx.msk [tilespmem:v20+s4+$0x0], $0xffff  }
0xa7: {  	s2 =	sor.u32 s22, s16;
	s13 =	sadd.s32 $0xEB00, s6;
	s31 =	sor.u32 s23, s11;
	[tilespmem:s7+$0x0] =	vst v17;
	v17 =	vld.idx.msk [tilespmem:v21+s4+$0x0], $0xffff  }
0xa8: {  	v55 =	vadd.s32 $0x6300, v0;
	v54 =	vshll.u32 v12, $0x3;
	s16 =	sadd.s32 $0xEB80, s6;
	s14 =	sand.u32 $0x60, s0;
	s8 =	sor.u32 s23, s13;
	[tilespmem:s31+$0x0] =	vst v18;
	v18 =	vld.idx.msk [tilespmem:v8+s4+$0x0], $0xffff  }
0xa9: {  	v12 =	vand.u32 $0x7F, v12;
	v20 =	vand.u32 $0xFFFFFC00, v54;
	v8 =	vadd.s32 $0x6380, v0;
	s31 =	sand.u32 $0x380, s0;
	[tilespmem:s8+$0x0] =	vst v13;
	s8 =	sor.u32 s23, s16;
	s23 =	sor.u32 $0x10, s14;
	v4 =	vld.idx.msk [tilespmem:v4+s4+$0x0], $0xffff  }
0xaa: {  	v0 =	vmov v1;
	v1 =	vor.u32 v12, v20;
	s7 =	sor.u32 s23, s31;
	[tilespmem:s8+$0x0] =	vst v2;
	v19 =	vld.idx.msk [tilespmem:v19+s4+$0x0], $0xffff  }
0xab: {  	v13 =	vor.u32 $0x80, v1;
	[tilespmem:s18+$0x0] =	vst v3;
	v56 =	vld [tilespmem:s7+$0x8000];
	s7 =	rddreg [dreg:$0x1e]  }
0xac: {  	v2 =	vor.u32 $0x100, v1;
	[tilespmem:s7+$0x0] =	vst v6  }
0xad: {  	v3 =	vor.u32 $0x180, v1;
	v21 =	vld.idx.msk [tilespmem:v55+s4+$0x0], $0xffff;
	[tilespmem:s10+$0x0] =	vst v7  }
0xae: {  	s8 =	rddreg [dreg:$0x1d];
	v6 =	vor.u32 $0x200, v1;
	v22 =	vld.idx.msk [tilespmem:v8+s4+$0x0], $0xffff  }
0xaf: {  	v7 =	vadd.s32 $0x4000, v0;
	v12 =	vld.idx.msk [tilespmem:v1+s4+$0x0], $0xffff;
	[tilespmem:s8+$0x0] =	vst v11  }
0xb0: {  	v8 =	vadd.s32 $0x4080, v0;
	v13 =	vld.idx.msk [tilespmem:v13+s4+$0x0], $0xffff;
	[tilespmem:s20+$0x0] =	vst v10  }
0xb1: {  	v23 =	vld.idx.msk [tilespmem:v2+s4+$0x0], $0xffff;
	v2 =	vshll.u32 v56, $0x3;
	[tilespmem:s24+$0x0] =	vst v9;
	v9 =	vadd.s32 $0x4100, v0  }
0xb2: {  	s10 =	rddreg [dreg:$0x1a];
	v10 =	vadd.s32 $0x4180, v0;
	v24 =	vld.idx.msk [tilespmem:v3+s4+$0x0], $0xffff;
	v3 =	vand.u32 $0x7F, v56;
	v2 =	vand.u32 $0xFFFFFC00, v2;
	[tilespmem:s25+$0x0] =	vst v16  }
0xb3: {  	s6 =	sor.u32 s22, s13;
	s13 =	smov.u32 s15;
	s15 =	rddreg [dreg:$0x6];
	v16 =	vld.idx.msk [tilespmem:v6+s4+$0x0], $0xffff;
	v2 =	vor.u32 v3, v2;
	[tilespmem:s10+$0x0] =	vst v14  }
0xb4: {  	s20 =	rddreg [dreg:$0x4];
	v11 =	vor.u32 $0x80, v2;
	v3 =	vld.idx.msk [tilespmem:v7+s4+$0x0], $0xffff;
	[tilespmem:s15+$0x0] =	vst v5  }
0xb5: {  	s24 =	rddreg [dreg:$0x5];
	v5 =	vor.u32 $0x100, v2;
	v6 =	vld.idx.msk [tilespmem:v8+s4+$0x0], $0xffff;
	[tilespmem:s20+$0x0] =	vst v15  }
0xb6: {  	v14 =	vor.u32 $0x180, v2;
	v7 =	vld.idx.msk [tilespmem:v9+s4+$0x0], $0xffff;
	[tilespmem:s24+$0x0] =	vst v17  }
0xb7: {  	s18 =	smov.u32 s26;
	s26 =	rddreg [dreg:$0x1b];
	v15 =	vor.u32 $0x280, v2;
	v8 =	vld.idx.msk [tilespmem:v10+s4+$0x0], $0xffff  }
0xb8: {  	s25 =	smov.u32 s29;
	s29 =	rddreg [dreg:$0x15];
	v9 =	vor.u32 $0x200, v2;
	[tilespmem:s26+$0x0] =	vst v18;
	v10 =	vld.idx.msk [tilespmem:v2+s4+$0x0], $0xffff  }
0xb9: {  	v17 =	vor.u32 $0x380, v2;
	[tilespmem:s29+$0x0] =	vst v4;
	v4 =	vld.idx.msk [tilespmem:v11+s4+$0x0], $0xffff  }
0xba: {  	s17 =	sadd.s32 $0x100, s17;
	v11 =	vor.u32 $0x300, v2;
	v5 =	vld.idx.msk [tilespmem:v5+s4+$0x0], $0xffff  }
0xbb: {  	v25 =	vor.u32 $0x280, v1;
	s31 =	sor.u32 s22, s11;
	s11 =	smov.u32 s12;
	s7 =	rddreg [dreg:$0x17];
	v14 =	vld.idx.msk [tilespmem:v14+s4+$0x0], $0xffff  }
0xbc: {  	[dreg:$0x5] =	wrdreg s25;
	s25 =	smov.u32 s6;
	s6 =	sand.u32 $0x1C00, s17;
	v18 =	vadd.s32 $0x4200, v0;
	[tilespmem:s9+$0x0] =	vst v19;
	v15 =	vld.idx.msk [tilespmem:v15+s4+$0x0], $0xffff  }
0xbd: {  	v26 =	vor.u32 $0x300, v1;
	s12 =	sor.u32 s22, s16;
	s8 =	rddreg [dreg:$0x7];
	s15 =	sadd.s32 $0x8800, s6;
	[tilespmem:s7+$0x0] =	vst v21;
	v9 =	vld.idx.msk [tilespmem:v9+s4+$0x0], $0xffff  }
0xbe: {  	s22 =	smov.u32 s14;
	s14 =	smov.u32 s5;
	s5 =	sor.u32 s23, s15;
	v19 =	vadd.s32 $0x4280, v0;
	[tilespmem:s8+$0x0] =	vst v22;
	v17 =	vld.idx.msk [tilespmem:v17+s4+$0x0], $0xffff  }
0xbf: {  	s19 =	sadd.s32 $0x1, s19;
	v57 =	vadd.s32 $0x4300, v0;
	v58 =	vld.idx.msk [tilespmem:v11+s4+$0x0], $0xffff;
	[tilespmem:s5+$0x0] =	vst v10  }
0xc0: {  	v59 =	vadd.s32 $0x4380, v0;
	s20 =	sand.u32 $0x3, s19;
	v60 =	vld.idx.msk [tilespmem:v25+s4+$0x0], $0xffff;
	[tilespmem:s5+$0x80] =	vst v4  }
0xc1: {  	s7 =	sshll.u32 s20, $0x5;
	v11 =	vld.idx.msk [tilespmem:v18+s4+$0x0], $0xffff;
	v18 =	vor.u32 $0x380, v1;
	[tilespmem:s5+$0x100] =	vst v5  }
0xc2: {  	s16 =	smov.u32 s21;
	s21 =	smov.u32 s28;
	s7 =	sadd.s32 s7, s17;
	v61 =	vld.idx.msk [tilespmem:v26+s4+$0x0], $0xffff;
	[tilespmem:s5+$0x180] =	vst v14  }
0xc3: {  	[dreg:$0x4] =	wrdreg s21;
	s21 =	sor.u32 $0x300, s7;
	s7 =	sadd.s32 $0x10, s7;
	v10 =	vld.idx.msk [tilespmem:v19+s4+$0x0], $0xffff;
	v14 =	vadd.s32 $0x2000, v2;
	[tilespmem:s5+$0x280] =	vst v15  }
0xc4: {  	s29 =	sor.u32 $0x300, s7;
	v4 =	vld.idx.msk [tilespmem:v57+s4+$0x0], $0xffff;
	v19 =	vadd.s32 $0x2080, v2;
	[tilespmem:s5+$0x200] =	vst v9  }
0xc5: {  	[dreg:$0x6] =	wrdreg s18;
	s18 =	sor.u32 s22, s15;
	v5 =	vld.idx.msk [tilespmem:v59+s4+$0x0], $0xffff;
	v15 =	vadd.s32 $0x2100, v2;
	[tilespmem:s29+$0x8800] =	vst v58  }
0xc6: {  	s28 =	smov.u32 s30;
	s30 =	smov.u32 s31;
	v62 =	vadd.s32 $0x2180, v2;
	s31 =	sor.u32 $0x380, s7;
	v9 =	vld.idx.msk [tilespmem:v18+s4+$0x0], $0xffff;
	[tilespmem:s18+$0x80] =	vst v13  }
0xc7: {  	v13 =	vadd.s32 $0x2280, v2;
	[tilespmem:s31+$0x8800] =	vst v17  }
0xc8: {  	v63 =	vadd.s32 $0x2380, v2;
	v14 =	vld.idx.msk [tilespmem:v14+s4+$0x0], $0xffff  }
0xc9: {  	[tilespmem:s18+$0x100] =	vst v23;
	v17 =	vadd.s32 $0x2200, v2;
	v18 =	vld.idx.msk [tilespmem:v19+s4+$0x0], $0xffff  }
0xca: {  	s3 =	sadd.s32 $0x2, s3;
	s10 =	smov.u32 s12;
	[tilespmem:s18+$0x180] =	vst v24;
	v19 =	vadd.s32 $0x2300, v2;
	v15 =	vld.idx.msk [tilespmem:v15+s4+$0x0], $0xffff  }
0xcb: {  	s1 =	sadd.s32 $0x20, s1;
	[dreg:$0x7] =	wrdreg s10;
	s10 =	sadd.s32 $0xA880, s6;
	[tilespmem:s18+$0x200] =	vst v16;
	v16 =	vld.idx.msk [tilespmem:v62+s4+$0x0], $0xffff  }
0xcc: {  	p0 =	slt.u32 s3, $0x3E;
	s12 =	sor.u32 s17, s0;
	s15 =	sor.u32 s22, s10;
	[tilespmem:s18+$0x0] =	vst v12;
	v12 =	vld.idx.msk [tilespmem:v13+s4+$0x0], $0xffff  }
0xcd: {  	s24 =	smov.u32 s2;
	s26 =	sor.u32 $0x380, s12;
	s7 =	sadd.s32 $0xA800, s6;
	[tilespmem:s18+$0x280] =	vst v60;
	v13 =	vld.idx.msk [tilespmem:v63+s4+$0x0], $0xffff  }
0xce: {  	s9 =	rddreg [dreg:$0x16];
	s2 =	sor.u32 s23, s7;
	s18 =	sadd.s32 $0xA900, s6;
	[tilespmem:s21+$0x8800] =	vst v61;
	v17 =	vld.idx.msk [tilespmem:v17+s4+$0x0], $0xffff  }
0xcf: {  	s20 =	sor.u32 s23, s10;
	s12 =	sor.u32 s22, s7;
	s5 =	sor.u32 s22, s18;
	v19 =	vld.idx.msk [tilespmem:v19+s4+$0x0], $0xffff;
	[tilespmem:s2+$0x0] =	vst v14  }
0xd0: {  	s21 =	sadd.s32 $0xA980, s6;
	s29 =	sor.u32 s23, s18;
	s31 =	sadd.s32 $0xAA00, s6;
	[tilespmem:s20+$0x0] =	vst v18  }
.Ltmp0:
0xd1: {  	s10 =	sor.u32 s22, s21;
	s20 =	sor.u32 s23, s21;
	[tilespmem:s29+$0x0] =	vst v15;
	(pc) =	sbr.rel @p0 .LBB2_3-.Ltmp0, $4  }
0xd2: {  	s18 =	sor.u32 s22, s31;
	s21 =	sadd.s32 $0xAA80, s6;
	s29 =	sor.u32 s23, s31;
	[tilespmem:s20+$0x0] =	vst v16  }
0xd3: {  	s31 =	sadd.s32 $0xAB00, s6;
	s8 =	sor.u32 s23, s21;
	s20 =	sor.u32 s22, s21;
	[tilespmem:s29+$0x0] =	vst v17  }
0xd4: {  	v14 =	vadd.s32 $0x4000, v2;
	s21 =	sor.u32 s22, s31;
	s31 =	sor.u32 s23, s31;
	s29 =	sadd.s32 $0xAB80, s6;
	[tilespmem:s8+$0x0] =	vst v12  }
0xd5: {  	v15 =	vadd.s32 $0x4180, v2;
	v16 =	vadd.s32 $0x4080, v2;
	v17 =	vadd.s32 $0x4100, v2;
	s7 =	sor.u32 s22, s29;
	s2 =	sor.u32 s23, s29;
	s8 =	rddreg [dreg:$0x10];
	[tilespmem:s31+$0x0] =	vst v19  }
0xd6: {  	_ =	sdelay $0x1  }
0xd7: {  	[tilespmem:s2+$0x0] =	vst v13  }
0xd8: {  	v12 =	vadd.s32 $0x4200, v2;
	[tilespmem:s26+$0x8800] =	vst v9  }
0xd9: {  	[tilespmem:s13+$0x0] =	vst v3;
	v13 =	vld.idx.msk [tilespmem:v14+s4+$0x0], $0xffff;
	v14 =	vadd.s32 $0x4280, v2  }
0xda: {  	v9 =	vld.idx.msk [tilespmem:v16+s4+$0x0], $0xffff;
	v16 =	vadd.s32 $0x4300, v2;
	[tilespmem:s8+$0x0] =	vst v6  }
0xdb: {  	v3 =	vld.idx.msk [tilespmem:v17+s4+$0x0], $0xffff;
	v17 =	vadd.s32 $0x4380, v2;
	[tilespmem:s14+$0x0] =	vst v7  }
0xdc: {  	v6 =	vld.idx.msk [tilespmem:v15+s4+$0x0], $0xffff;
	s0 =	rddreg [dreg:$0xd]  }
0xdd: {  	[tilespmem:s0+$0x0] =	vst v8;
	v7 =	vld.idx.msk [tilespmem:v12+s4+$0x0], $0xffff  }
0xde: {  	s0 =	sadd.s32 $0xC800, s6;
	v12 =	vadd.s32 $0x2000, v1;
	[tilespmem:s16+$0x0] =	vst v11;
	v8 =	vld.idx.msk [tilespmem:v14+s4+$0x0], $0xffff  }
0xdf: {  	s1 =	sadd.s32 $0xC880, s6;
	v15 =	vadd.s32 $0x2100, v1;
	s8 =	sor.u32 s23, s0;
	v11 =	vld.idx.msk [tilespmem:v16+s4+$0x0], $0xffff;
	[tilespmem:s9+$0x0] =	vst v10  }
0xe0: {  	s3 =	sadd.s32 $0xC900, s6;
	v14 =	vadd.s32 $0x2080, v1;
	v10 =	vld.idx.msk [tilespmem:v17+s4+$0x0], $0xffff;
	[tilespmem:s8+$0x0] =	vst v13;
	s9 =	sor.u32 s23, s1  }
0xe1: {  	s13 =	sor.u32 s23, s3;
	v16 =	vadd.s32 $0x2180, v1;
	s8 =	sadd.s32 $0xC980, s6;
	[tilespmem:s9+$0x0] =	vst v9  }
0xe2: {  	v13 =	vadd.s32 $0x2200, v1;
	s9 =	sadd.s32 $0xCA00, s6;
	s14 =	sor.u32 s23, s8;
	[tilespmem:s13+$0x0] =	vst v3  }
0xe3: {  	v9 =	vadd.s32 $0x2280, v1;
	s16 =	sor.u32 s23, s9;
	[tilespmem:s14+$0x0] =	vst v6;
	v3 =	vld.idx.msk [tilespmem:v12+s4+$0x0], $0xffff  }
0xe4: {  	s13 =	sadd.s32 $0xCA80, s6;
	v12 =	vadd.s32 $0x2300, v1;
	[tilespmem:s16+$0x0] =	vst v7;
	v7 =	vld.idx.msk [tilespmem:v15+s4+$0x0], $0xffff  }
0xe5: {  	[tilespmem:s11+$0x0] =	vst v4;
	s14 =	sadd.s32 $0xCB00, s6;
	s17 =	sor.u32 s23, s13;
	v6 =	vld.idx.msk [tilespmem:v14+s4+$0x0], $0xffff;
	v14 =	vadd.s32 $0x2380, v1  }
0xe6: {  	s16 =	sadd.s32 $0xCB80, s6;
	s19 =	sor.u32 s23, s14;
	[tilespmem:s17+$0x0] =	vst v8;
	v8 =	vadd.s32 $0x6000, v2;
	v15 =	vld.idx.msk [tilespmem:v16+s4+$0x0], $0xffff  }
0xe7: {  	v13 =	vld.idx.msk [tilespmem:v13+s4+$0x0], $0xffff;
	s26 =	sor.u32 s23, s16;
	[tilespmem:s19+$0x0] =	vst v11;
	v11 =	vadd.s32 $0x6080, v2  }
0xe8: {  	v4 =	vadd.s32 $0x6180, v2;
	v9 =	vld.idx.msk [tilespmem:v9+s4+$0x0], $0xffff;
	[tilespmem:s26+$0x0] =	vst v10  }
0xe9: {  	v10 =	vadd.s32 $0x6100, v2;
	s2 =	rddreg [dreg:$0xc];
	v12 =	vld.idx.msk [tilespmem:v12+s4+$0x0], $0xffff  }
0xea: {  	[tilespmem:s2+$0x0] =	vst v5;
	v5 =	vadd.s32 $0x6200, v2;
	v14 =	vld.idx.msk [tilespmem:v14+s4+$0x0], $0xffff  }
0xeb: {  	[tilespmem:s12+$0x0] =	vst v3;
	v3 =	vld.idx.msk [tilespmem:v8+s4+$0x0], $0xffff;
	v8 =	vadd.s32 $0x6280, v2  }
0xec: {  	[tilespmem:s15+$0x0] =	vst v6;
	v6 =	vld.idx.msk [tilespmem:v11+s4+$0x0], $0xffff;
	v11 =	vadd.s32 $0x6300, v2  }
0xed: {  	v4 =	vld.idx.msk [tilespmem:v4+s4+$0x0], $0xffff;
	v2 =	vadd.s32 $0x6380, v2;
	[tilespmem:s5+$0x0] =	vst v7  }
0xee: {  	v10 =	vld.idx.msk [tilespmem:v10+s4+$0x0], $0xffff;
	[tilespmem:s10+$0x0] =	vst v15  }
0xef: {  	v7 =	vadd.s32 $0x4000, v1;
	v5 =	vld.idx.msk [tilespmem:v5+s4+$0x0], $0xffff;
	[tilespmem:s18+$0x0] =	vst v13  }
0xf0: {  	s2 =	sadd.s32 $0xE800, s6;
	v13 =	vadd.s32 $0x4080, v1;
	v8 =	vld.idx.msk [tilespmem:v8+s4+$0x0], $0xffff;
	[tilespmem:s20+$0x0] =	vst v9  }
0xf1: {  	s15 =	sor.u32 s23, s2;
	v9 =	vadd.s32 $0x4100, v1;
	v11 =	vld.idx.msk [tilespmem:v11+s4+$0x0], $0xffff;
	[tilespmem:s21+$0x0] =	vst v12  }
0xf2: {  	s5 =	sadd.s32 $0xE880, s6;
	v12 =	vadd.s32 $0x4180, v1;
	v2 =	vld.idx.msk [tilespmem:v2+s4+$0x0], $0xffff;
	[tilespmem:s15+$0x0] =	vst v3  }
0xf3: {  	s17 =	sor.u32 s23, s5;
	[tilespmem:s7+$0x0] =	vst v14;
	v14 =	vadd.s32 $0x4200, v1;
	s7 =	sadd.s32 $0xE900, s6  }
0xf4: {  	s10 =	sadd.s32 $0xE980, s6;
	[tilespmem:s17+$0x0] =	vst v6;
	v3 =	vld.idx.msk [tilespmem:v7+s4+$0x0], $0xffff;
	v7 =	vadd.s32 $0x4280, v1;
	s18 =	sor.u32 s23, s7  }
0xf5: {  	s11 =	sadd.s32 $0xEA00, s6;
	s19 =	sor.u32 s23, s10;
	v6 =	vld.idx.msk [tilespmem:v13+s4+$0x0], $0xffff;
	v13 =	vadd.s32 $0x4300, v1;
	[tilespmem:s18+$0x0] =	vst v10  }
0xf6: {  	s12 =	sadd.s32 $0xEA80, s6;
	s20 =	sor.u32 s23, s11;
	v10 =	vadd.s32 $0x4380, v1;
	v9 =	vld.idx.msk [tilespmem:v9+s4+$0x0], $0xffff;
	[tilespmem:s19+$0x0] =	vst v4  }
0xf7: {  	s15 =	sadd.s32 $0xEB00, s6;
	s17 =	sor.u32 s23, s12;
	v4 =	vld.idx.msk [tilespmem:v12+s4+$0x0], $0xffff;
	[tilespmem:s20+$0x0] =	vst v5  }
0xf8: {  	v15 =	vadd.s32 $0x6000, v0;
	s6 =	sadd.s32 $0xEB80, s6;
	s21 =	sor.u32 s23, s15;
	v12 =	vld.idx.msk [tilespmem:v14+s4+$0x0], $0xffff;
	[tilespmem:s17+$0x0] =	vst v8  }
0xf9: {  	s26 =	sor.u32 s23, s6;
	v5 =	vadd.s32 $0x6080, v0;
	v7 =	vld.idx.msk [tilespmem:v7+s4+$0x0], $0xffff;
	[tilespmem:s21+$0x0] =	vst v11  }
0xfa: {  	s0 =	sor.u32 s22, s0;
	v8 =	vadd.s32 $0x6100, v0;
	v13 =	vld.idx.msk [tilespmem:v13+s4+$0x0], $0xffff;
	[tilespmem:s26+$0x0] =	vst v2  }
0xfb: {  	s1 =	sor.u32 s22, s1;
	v11 =	vadd.s32 $0x6180, v0;
	v10 =	vld.idx.msk [tilespmem:v10+s4+$0x0], $0xffff;
	[tilespmem:s0+$0x0] =	vst v3  }
0xfc: {  	s3 =	sor.u32 s22, s3;
	v2 =	vadd.s32 $0x6200, v0;
	[tilespmem:s1+$0x0] =	vst v6  }
0xfd: {  	s8 =	sor.u32 s22, s8;
	v14 =	vadd.s32 $0x6280, v0;
	v3 =	vld.idx.msk [tilespmem:v15+s4+$0x0], $0xffff;
	[tilespmem:s3+$0x0] =	vst v9  }
0xfe: {  	s9 =	sor.u32 s22, s9;
	v6 =	vadd.s32 $0x6300, v0;
	v5 =	vld.idx.msk [tilespmem:v5+s4+$0x0], $0xffff;
	[tilespmem:s8+$0x0] =	vst v4  }
0xff: {  	s13 =	sor.u32 s22, s13;
	v0 =	vadd.s32 $0x6380, v0;
	v8 =	vld.idx.msk [tilespmem:v8+s4+$0x0], $0xffff;
	[tilespmem:s9+$0x0] =	vst v12  }
0x100: {  	s17 =	sor.u32 s22, s14;
	v4 =	vld.idx.msk [tilespmem:v11+s4+$0x0], $0xffff;
	[tilespmem:s13+$0x0] =	vst v7  }
0x101: {  	s18 =	sor.u32 s22, s16;
	v2 =	vld.idx.msk [tilespmem:v2+s4+$0x0], $0xffff;
	[tilespmem:s17+$0x0] =	vst v13  }
0x102: {  	v7 =	vld.idx.msk [tilespmem:v14+s4+$0x0], $0xffff;
	[tilespmem:s18+$0x0] =	vst v10  }
0x103: {  	v9 =	vadd.s32 $0x6000, v1;
	v6 =	vld.idx.msk [tilespmem:v6+s4+$0x0], $0xffff;
	s0 =	rddreg [dreg:$0x6]  }
0x104: {  	v11 =	vadd.s32 $0x6080, v1;
	v0 =	vld.idx.msk [tilespmem:v0+s4+$0x0], $0xffff;
	[tilespmem:s0+$0x0] =	vst v3  }
0x105: {  	v12 =	vadd.s32 $0x6100, v1;
	s0 =	rddreg [dreg:$0x4]  }
0x106: {  	v13 =	vadd.s32 $0x6180, v1;
	[tilespmem:s0+$0x0] =	vst v5  }
0x107: {  	v10 =	vadd.s32 $0x6200, v1;
	s0 =	rddreg [dreg:$0x5]  }
0x108: {  	v3 =	vld.idx.msk [tilespmem:v9+s4+$0x0], $0xffff;
	v9 =	vadd.s32 $0x6280, v1;
	[tilespmem:s0+$0x0] =	vst v8  }
0x109: {  	v5 =	vld.idx.msk [tilespmem:v11+s4+$0x0], $0xffff;
	v11 =	vadd.s32 $0x6300, v1;
	[tilespmem:s28+$0x0] =	vst v4  }
0x10a: {  	v1 =	vadd.s32 $0x6380, v1;
	v8 =	vld.idx.msk [tilespmem:v12+s4+$0x0], $0xffff;
	[tilespmem:s24+$0x0] =	vst v2  }
0x10b: {  	v4 =	vld.idx.msk [tilespmem:v13+s4+$0x0], $0xffff;
	[tilespmem:s30+$0x0] =	vst v7  }
0x10c: {  	v2 =	vld.idx.msk [tilespmem:v10+s4+$0x0], $0xffff;
	[tilespmem:s25+$0x0] =	vst v6  }
0x10d: {  	v7 =	vld.idx.msk [tilespmem:v9+s4+$0x0], $0xffff;
	s0 =	rddreg [dreg:$0x7]  }
0x10e: {  	s19 =	sor.u32 s22, s2;
	v6 =	vld.idx.msk [tilespmem:v11+s4+$0x0], $0xffff;
	[tilespmem:s0+$0x0] =	vst v0  }
0x10f: {  	s20 =	sor.u32 s22, s5;
	v0 =	vld.idx.msk [tilespmem:v1+s4+$0x0], $0xffff;
	[tilespmem:s19+$0x0] =	vst v3  }
0x110: {  	s21 =	sor.u32 s22, s7;
	[tilespmem:s20+$0x0] =	vst v5  }
0x111: {  	s23 =	sor.u32 s22, s10;
	[tilespmem:s21+$0x0] =	vst v8  }
0x112: {  	s24 =	sor.u32 s22, s11;
	[tilespmem:s23+$0x0] =	vst v4  }
0x113: {  	s26 =	sor.u32 s22, s12;
	s5 =	sld [smem:$0x7F8];
	[tilespmem:s24+$0x0] =	vst v2  }
0x114: {  	[tilespmem:s26+$0x0] =	vst v7  }
0x115: {  	s3 =	sld [smem:$0x7FB]  }
0x116: {  	s25 =	smul.u32 $0x1F4000, s5;
	_ =	sdelay $0x1  }
0x117: {  	s30 =	sor.u32 s22, s15;
	s0 =	sadd.s32 s3, s25  }
0x118: {  	s6 =	sor.u32 s22, s6;
	s7 =	rddreg [dreg:$0x2];
	[tilespmem:s30+$0x0] =	vst v6;
	s0 =	sshrl.u32 s0, $0x3  }
0x119: {  	s8 =	simm.s32 $0x8800;
	[tilespmem:s6+$0x0] =	vst v0;
	s0 =	sadd.s32 s7, s0  }
0x11a: {  	[hbm4b:s0+s4] =	stream.linear.scatter [tilespmem:s8], [sflag:$0x3], $0x8000, $0x38;
	[tilespmem:$0x18800] =	vst v63  }
0x11b: {  	s0 =	sld [smem:$0x7F9];
	_ =	sdelay $0x1  }
0x11c: {  	s9 =	simm.s32 $0x2;
	p0 =	seq.s32 s5, $0x18  }
0x11d: {  	p1 =	seq.s32 @!p0 s5, $0x0;
	_ =	swait.ge [sflag:s9], $0x400;
	s0 =	sadd.s32 @!p0 $0x2, s0  }
0x11e: {  	s3 =	simm.s32 @!p0 $0x8000;
	[sflag:s9] =	ssyncset.done $0x0;
	s1 =	sshll.u32 @!p0 s0, $0x4  }
0x11f: {  	s2 =	rddreg [dreg:$0x0];
	s0 =	sshll.u32 @!p0 s0, $0x7;
	s1 =	sand.u32 @!p0 $0x60, s1  }
0x120: {  	[sflag:s9] =	ssyncadd.s32 $0xFFFFFC00;
	s0 =	sand.u32 @!p0 $0x3C00, s0;
	s1 =	sadd.s32 @!p0 s2, s1  }
0x121: {  	s2 =	simm.s32 @!p0 $0x400;
	s0 =	sadd.s32 @!p0 s0, s1;
	s1 =	simm.s32 @!p0 $0x80  }
0x122: {  	[tilespmem:s3], [sflag:$0x1] =	stream.strided.gather @!p0 [hbm4b:s0+s1], $0x400, s2, s1, $0x38;
	[tilespmem:$0x18800] =	vst v63  }
0x123: {  	p0 =	por p0, !p1  }
0x124: {  	s0 =	simm.s32 @p0 $0x4  }
0x125: {  	_ =	swait.ge @p0 [sflag:s0], $0x8000  }
0x126: {  	[sflag:s0] =	ssyncset.done @p0 $0x0  }
0x127: {  	[sflag:s0] =	ssyncadd.s32 @p0 $0xFFFF8000;
	s0 =	simm.s32 $0x0  }
0x128: {  	s1 =	sand.u32 $0x60, s0  }
0x129: {  	s10 =	sand.u32 $0x380, s0;
	s2 =	sor.u32 $0x10, s1  }
0x12a: {  	s3 =	sor.u32 s2, s10  }
0x12b: {  	v0 =	vld [tilespmem:s3+$0x8400];
	_ =	sdelay $0x4  }
0x12c: {  	v1 =	vshll.u32 v0, $0x3  }
0x12d: {  	v0 =	vand.u32 $0x7F, v0;
	v1 =	vand.u32 $0xFFFFFC00, v1  }
0x12e: {  	v1 =	vor.u32 v0, v1  }
0x12f: {  	v0 =	vor.u32 $0x80, v1  }
0x130: {  	v2 =	vor.u32 $0x100, v1  }
0x131: {  	v3 =	vor.u32 $0x180, v1  }
0x132: {  	v4 =	vor.u32 $0x200, v1  }
0x133: {  	v6 =	vor.u32 $0x280, v1;
	v5 =	vld.idx.msk [tilespmem:v1+s4+$0x0], $0xffff  }
0x134: {  	v7 =	vor.u32 $0x300, v1;
	v0 =	vld.idx.msk [tilespmem:v0+s4+$0x0], $0xffff  }
0x135: {  	v8 =	vor.u32 $0x380, v1;
	v2 =	vld.idx.msk [tilespmem:v2+s4+$0x0], $0xffff  }
0x136: {  	v3 =	vld.idx.msk [tilespmem:v3+s4+$0x0], $0xffff  }
0x137: {  	s3 =	sand.u32 $0x1C00, s0;
	v4 =	vld.idx.msk [tilespmem:v4+s4+$0x0], $0xffff  }
0x138: {  	s11 =	sadd.s32 $0x10800, s3;
	v6 =	vld.idx.msk [tilespmem:v6+s4+$0x0], $0xffff  }
0x139: {  	s15 =	sor.u32 s2, s11;
	v7 =	vld.idx.msk [tilespmem:v7+s4+$0x0], $0xffff  }
0x13a: {  	v8 =	vld.idx.msk [tilespmem:v8+s4+$0x0], $0xffff;
	[tilespmem:s15+$0x0] =	vst v5  }
0x13b: {  	s16 =	sand.u32 $0x3, s0;
	[tilespmem:s15+$0x80] =	vst v0  }
0x13c: {  	s5 =	sshll.u32 s16, $0x5;
	[tilespmem:s15+$0x100] =	vst v2  }
0x13d: {  	s17 =	simm.s32 $0x8400;
	s5 =	sadd.s32 $0x0, s5;
	v9 =	vadd.s32 $0x2300, v1;
	[tilespmem:s15+$0x180] =	vst v3  }
0x13e: {  	s18 =	sadd.s32 $0x10, s5;
	v0 =	vadd.s32 $0x2000, v1;
	v2 =	vld [tilespmem:s17+$0x0];
	[tilespmem:s15+$0x200] =	vst v4  }
0x13f: {  	s19 =	sor.u32 $0x300, s18;
	v3 =	vadd.s32 $0x2080, v1;
	[tilespmem:s15+$0x280] =	vst v6  }
0x140: {  	s20 =	sor.u32 $0x380, s18;
	v4 =	vadd.s32 $0x2100, v1;
	[tilespmem:s19+$0x10800] =	vst v7  }
0x141: {  	v5 =	vadd.s32 $0x2180, v1;
	[tilespmem:s20+$0x10800] =	vst v8  }
0x142: {  	v10 =	vadd.s32 $0x2380, v1;
	v9 =	vld.idx.msk [tilespmem:v9+s4+$0x0], $0xffff  }
0x143: {  	v6 =	vadd.s32 $0x2200, v1;
	v7 =	vld.idx.msk [tilespmem:v0+s4+$0x0], $0xffff;
	v0 =	vshll.u32 v2, $0x3  }
0x144: {  	v8 =	vadd.s32 $0x2280, v1;
	v3 =	vld.idx.msk [tilespmem:v3+s4+$0x0], $0xffff;
	v2 =	vand.u32 $0x7F, v2;
	v0 =	vand.u32 $0xFFFFFC00, v0  }
0x145: {  	v4 =	vld.idx.msk [tilespmem:v4+s4+$0x0], $0xffff;
	v0 =	vor.u32 v2, v0  }
0x146: {  	v2 =	vld.idx.msk [tilespmem:v5+s4+$0x0], $0xffff;
	v5 =	vor.u32 $0x80, v0  }
0x147: {  	s10 =	sadd.s32 $0x12800, s3;
	v10 =	vld.idx.msk [tilespmem:v10+s4+$0x0], $0xffff;
	v11 =	vor.u32 $0x100, v0  }
0x148: {  	s6 =	sadd.s32 $0x12880, s3;
	s21 =	sor.u32 s2, s10;
	v6 =	vld.idx.msk [tilespmem:v6+s4+$0x0], $0xffff;
	v12 =	vor.u32 $0x180, v0  }
0x149: {  	s12 =	sadd.s32 $0x12900, s3;
	s22 =	sor.u32 s2, s6;
	v8 =	vld.idx.msk [tilespmem:v8+s4+$0x0], $0xffff;
	v13 =	vor.u32 $0x200, v0;
	[tilespmem:s21+$0x0] =	vst v7  }
0x14a: {  	s13 =	sadd.s32 $0x12980, s3;
	s23 =	sor.u32 s2, s12;
	v15 =	vor.u32 $0x280, v0;
	[tilespmem:s22+$0x0] =	vst v3;
	v14 =	vld.idx.msk [tilespmem:v0+s4+$0x0], $0xffff  }
0x14b: {  	s14 =	sadd.s32 $0x12A00, s3;
	s24 =	sor.u32 s2, s13;
	v7 =	vor.u32 $0x300, v0;
	[tilespmem:s23+$0x0] =	vst v4;
	v5 =	vld.idx.msk [tilespmem:v5+s4+$0x0], $0xffff  }
0x14c: {  	s16 =	sadd.s32 $0x12A80, s3;
	s25 =	sor.u32 s2, s14;
	v3 =	vld.idx.msk [tilespmem:v11+s4+$0x0], $0xffff;
	v11 =	vor.u32 $0x380, v0;
	[tilespmem:s24+$0x0] =	vst v2  }
0x14d: {  	s26 =	sor.u32 s2, s16;
	s17 =	sadd.s32 $0x12B00, s3;
	v4 =	vld.idx.msk [tilespmem:v12+s4+$0x0], $0xffff;
	v2 =	vadd.s32 $0x4000, v1;
	[tilespmem:s25+$0x0] =	vst v6  }
0x14e: {  	s18 =	sadd.s32 $0x12B80, s3;
	s30 =	sor.u32 s2, s17;
	v12 =	vld.idx.msk [tilespmem:v13+s4+$0x0], $0xffff;
	v6 =	vadd.s32 $0x4080, v1;
	[tilespmem:s26+$0x0] =	vst v8  }
0x14f: {  	s9 =	sor.u32 s2, s18;
	v13 =	vld.idx.msk [tilespmem:v15+s4+$0x0], $0xffff;
	v8 =	vadd.s32 $0x4100, v1;
	[tilespmem:s30+$0x0] =	vst v9  }
0x150: {  	s7 =	sor.u32 s1, s11;
	v7 =	vld.idx.msk [tilespmem:v7+s4+$0x0], $0xffff;
	v9 =	vadd.s32 $0x4180, v1;
	[tilespmem:s9+$0x0] =	vst v10  }
0x151: {  	v10 =	vadd.s32 $0x4200, v1;
	v11 =	vld.idx.msk [tilespmem:v11+s4+$0x0], $0xffff;
	[tilespmem:s7+$0x80] =	vst v5  }
0x152: {  	v2 =	vld.idx.msk [tilespmem:v2+s4+$0x0], $0xffff;
	v5 =	vadd.s32 $0x4280, v1;
	[tilespmem:s7+$0x100] =	vst v3  }
0x153: {  	[tilespmem:s7+$0x180] =	vst v4;
	v3 =	vld.idx.msk [tilespmem:v6+s4+$0x0], $0xffff;
	v6 =	vadd.s32 $0x4300, v1  }
0x154: {  	[tilespmem:s7+$0x200] =	vst v12;
	v4 =	vld.idx.msk [tilespmem:v8+s4+$0x0], $0xffff;
	v8 =	vadd.s32 $0x4380, v1  }
0x155: {  	[tilespmem:s7+$0x280] =	vst v13;
	v9 =	vld.idx.msk [tilespmem:v9+s4+$0x0], $0xffff  }
0x156: {  	s0 =	sor.u32 s0, s0;
	s5 =	sor.u32 $0x300, s5;
	[tilespmem:s7+$0x0] =	vst v14;
	v10 =	vld.idx.msk [tilespmem:v10+s4+$0x0], $0xffff  }
0x157: {  	s0 =	sor.u32 $0x380, s0;
	s7 =	sadd.s32 $0x14800, s3;
	[tilespmem:s5+$0x10800] =	vst v7;
	v5 =	vld.idx.msk [tilespmem:v5+s4+$0x0], $0xffff  }
0x158: {  	s28 =	sadd.s32 $0x14880, s3;
	s11 =	sor.u32 s2, s7;
	[tilespmem:s0+$0x10800] =	vst v11;
	v6 =	vld.idx.msk [tilespmem:v6+s4+$0x0], $0xffff  }
0x159: {  	s8 =	sadd.s32 $0x14900, s3;
	s15 =	sor.u32 s2, s28;
	v7 =	vld.idx.msk [tilespmem:v8+s4+$0x0], $0xffff;
	[tilespmem:s11+$0x0] =	vst v2;
	v2 =	vadd.s32 $0x2000, v0  }
0x15a: {  	s19 =	sor.u32 s2, s8;
	s22 =	simm.s32 $0x8420;
	s9 =	sadd.s32 $0x14980, s3;
	[tilespmem:s15+$0x0] =	vst v3;
	v3 =	vadd.s32 $0x2080, v0  }
0x15b: {  	s20 =	sor.u32 s2, s9;
	s0 =	simm.s32 $0x20;
	s11 =	sadd.s32 $0x14A00, s3;
	[tilespmem:s19+$0x0] =	vst v4  }
0x15c: {  	s26 =	sand.u32 $0x380, s0;
	s15 =	sadd.s32 $0x14A80, s3;
	s21 =	sor.u32 s2, s11;
	v4 =	vadd.s32 $0x6000, v1;
	[tilespmem:s20+$0x0] =	vst v9  }
0x15d: {  	v8 =	vadd.s32 $0x6080, v1;
	s19 =	sadd.s32 $0x14B00, s3;
	s23 =	sor.u32 s2, s15;
	v9 =	vld [tilespmem:s22+$0x0];
	s22 =	sand.u32 $0x60, s0;
	[tilespmem:s21+$0x0] =	vst v10  }
0x15e: {  	v11 =	vadd.s32 $0x6300, v1;
	s20 =	sadd.s32 $0x14B80, s3;
	s24 =	sor.u32 s2, s19;
	[tilespmem:s23+$0x0] =	vst v5;
	v10 =	vld.idx.msk [tilespmem:v2+s4+$0x0], $0xffff;
	s23 =	sor.u32 $0x10, s22  }
0x15f: {  	s25 =	sor.u32 s2, s20;
	v2 =	vadd.s32 $0x6180, v1;
	[tilespmem:s24+$0x0] =	vst v6;
	v3 =	vld.idx.msk [tilespmem:v3+s4+$0x0], $0xffff;
	s5 =	sor.u32 s23, s26  }
0x160: {  	v5 =	vadd.s32 $0x6100, v1;
	[tilespmem:s25+$0x0] =	vst v7;
	v13 =	vld [tilespmem:s5+$0x8400]  }
0x161: {  	v6 =	vadd.s32 $0x6200, v1;
	v4 =	vld.idx.msk [tilespmem:v4+s4+$0x0], $0xffff  }
0x162: {  	v7 =	vadd.s32 $0x6280, v1;
	v8 =	vld.idx.msk [tilespmem:v8+s4+$0x0], $0xffff  }
0x163: {  	v1 =	vadd.s32 $0x6380, v1;
	v11 =	vld.idx.msk [tilespmem:v11+s4+$0x0], $0xffff  }
0x164: {  	v12 =	vld.idx.msk [tilespmem:v2+s4+$0x0], $0xffff;
	v2 =	vadd.s32 $0x2100, v0  }
0x165: {  	v14 =	vadd.s32 $0x2180, v0;
	v5 =	vld.idx.msk [tilespmem:v5+s4+$0x0], $0xffff  }
0x166: {  	v15 =	vadd.s32 $0x2200, v0;
	s21 =	sadd.s32 $0x16800, s3;
	v6 =	vld.idx.msk [tilespmem:v6+s4+$0x0], $0xffff  }
0x167: {  	v16 =	vadd.s32 $0x2280, v0;
	s30 =	sor.u32 s2, s21;
	s24 =	sadd.s32 $0x16880, s3;
	v7 =	vld.idx.msk [tilespmem:v7+s4+$0x0], $0xffff  }
0x168: {  	v17 =	vadd.s32 $0x2300, v0;
	v18 =	vadd.s32 $0x2380, v0;
	s25 =	sadd.s32 $0x16900, s3;
	s26 =	sor.u32 s2, s24;
	v19 =	vld.idx.msk [tilespmem:v1+s4+$0x0], $0xffff;
	v1 =	vshll.u32 v9, $0x3;
	[tilespmem:s30+$0x0] =	vst v4  }
0x169: {  	v1 =	vand.u32 $0xFFFFFC00, v1;
	v4 =	vshll.u32 v13, $0x3;
	s30 =	sor.u32 s2, s25;
	[tilespmem:s26+$0x0] =	vst v8;
	s26 =	sadd.s32 $0x16980, s3;
	v20 =	vld.idx.msk [tilespmem:v2+s4+$0x0], $0xffff;
	v2 =	vand.u32 $0x7F, v9  }
0x16a: {  	s29 =	sadd.s32 $0x16A00, s3;
	v4 =	vand.u32 $0xFFFFFC00, v4;
	v9 =	vld.idx.msk [tilespmem:v14+s4+$0x0], $0xffff;
	[tilespmem:s30+$0x0] =	vst v5;
	s30 =	sor.u32 s2, s26;
	v1 =	vor.u32 v2, v1;
	v2 =	vand.u32 $0x7F, v13  }
0x16b: {  	s31 =	sadd.s32 $0x16A80, s3;
	v5 =	vld.idx.msk [tilespmem:v15+s4+$0x0], $0xffff;
	[tilespmem:s30+$0x0] =	vst v12;
	s30 =	sor.u32 s2, s29;
	v2 =	vor.u32 v2, v4  }
0x16c: {  	v4 =	vld.idx.msk [tilespmem:v16+s4+$0x0], $0xffff;
	[tilespmem:s30+$0x0] =	vst v6;
	s30 =	sor.u32 s2, s31;
	v8 =	vor.u32 $0x80, v2  }
0x16d: {  	s10 =	sor.u32 s1, s10;
	s5 =	sadd.s32 $0x16B00, s3;
	v6 =	vld.idx.msk [tilespmem:v17+s4+$0x0], $0xffff;
	v12 =	vor.u32 $0x100, v2;
	[tilespmem:s30+$0x0] =	vst v7  }
0x16e: {  	v7 =	vld.idx.msk [tilespmem:v18+s4+$0x0], $0xffff;
	v13 =	vor.u32 $0x180, v2;
	s30 =	sor.u32 s2, s5;
	[tilespmem:s10+$0x0] =	vst v10  }
0x16f: {  	s6 =	sor.u32 s1, s6;
	v14 =	vor.u32 $0x200, v2;
	[tilespmem:s30+$0x0] =	vst v11;
	v11 =	vld.idx.msk [tilespmem:v1+s4+$0x0], $0xffff  }
0x170: {  	v15 =	vor.u32 $0x280, v2;
	s10 =	sor.u32 s1, s12;
	[tilespmem:s6+$0x0] =	vst v3;
	v10 =	vld.idx.msk [tilespmem:v2+s4+$0x0], $0xffff  }
0x171: {  	s12 =	sor.u32 s1, s13;
	v16 =	vor.u32 $0x380, v2;
	[tilespmem:s10+$0x0] =	vst v20;
	v3 =	vld.idx.msk [tilespmem:v8+s4+$0x0], $0xffff  }
0x172: {  	v17 =	vor.u32 $0x80, v1;
	s13 =	sor.u32 s1, s14;
	[tilespmem:s12+$0x0] =	vst v9;
	v12 =	vld.idx.msk [tilespmem:v12+s4+$0x0], $0xffff  }
0x173: {  	s14 =	sor.u32 s1, s16;
	[tilespmem:s13+$0x0] =	vst v5;
	v8 =	vor.u32 $0x300, v2;
	v9 =	vld.idx.msk [tilespmem:v13+s4+$0x0], $0xffff  }
0x174: {  	s16 =	sor.u32 s1, s17;
	s10 =	simm.s32 $0x100;
	v13 =	vor.u32 $0x100, v1;
	v5 =	vld.idx.msk [tilespmem:v14+s4+$0x0], $0xffff;
	[tilespmem:s14+$0x0] =	vst v4  }
0x175: {  	s3 =	sadd.s32 $0x16B80, s3;
	s17 =	sor.u32 s1, s18;
	s6 =	sand.u32 $0x1C00, s10;
	v14 =	vor.u32 $0x180, v1;
	v4 =	vld.idx.msk [tilespmem:v15+s4+$0x0], $0xffff;
	[tilespmem:s16+$0x0] =	vst v6  }
0x176: {  	s2 =	sor.u32 s2, s3;
	s12 =	sadd.s32 $0x10800, s6;
	v15 =	vor.u32 $0x200, v1;
	[tilespmem:s17+$0x0] =	vst v7;
	v7 =	vld.idx.msk [tilespmem:v16+s4+$0x0], $0xffff  }
0x177: {  	v18 =	vor.u32 $0x380, v1;
	[tilespmem:s2+$0x0] =	vst v19;
	s18 =	sor.u32 s23, s12;
	v16 =	vld.idx.msk [tilespmem:v17+s4+$0x0], $0xffff  }
0x178: {  	v17 =	vor.u32 $0x280, v1;
	s17 =	simm.s32 $0x1;
	v6 =	vld.idx.msk [tilespmem:v8+s4+$0x0], $0xffff;
	[tilespmem:s18+$0x0] =	vst v10  }
0x179: {  	s16 =	sand.u32 $0x3, s17;
	v8 =	vadd.s32 $0x4000, v0;
	v10 =	vld.idx.msk [tilespmem:v13+s4+$0x0], $0xffff;
	[tilespmem:s18+$0x80] =	vst v3  }
0x17a: {  	s14 =	sshll.u32 s16, $0x5;
	v13 =	vor.u32 $0x300, v1;
	v14 =	vld.idx.msk [tilespmem:v14+s4+$0x0], $0xffff;
	[tilespmem:s18+$0x100] =	vst v12  }
0x17b: {  	v12 =	vld.idx.msk [tilespmem:v15+s4+$0x0], $0xffff;
	s30 =	sadd.s32 $0x100, s14;
	[tilespmem:s18+$0x180] =	vst v9;
	v15 =	vadd.s32 $0x2000, v2  }
0x17c: {  	[tilespmem:s18+$0x200] =	vst v5;
	v9 =	vld.idx.msk [tilespmem:v18+s4+$0x0], $0xffff;
	s14 =	sadd.s32 $0x10, s30  }
0x17d: {  	v5 =	vadd.s32 $0x2080, v2;
	[tilespmem:s18+$0x280] =	vst v4;
	v4 =	vld.idx.msk [tilespmem:v17+s4+$0x0], $0xffff;
	s18 =	sor.u32 $0x300, s14  }
0x17e: {  	s16 =	sor.u32 $0x380, s14;
	v3 =	vld.idx.msk [tilespmem:v8+s4+$0x0], $0xffff;
	[tilespmem:s18+$0x10800] =	vst v6  }
0x17f: {  	v8 =	vadd.s32 $0x2100, v2;
	v6 =	vld.idx.msk [tilespmem:v13+s4+$0x0], $0xffff;
	s18 =	sor.u32 s1, s9;
	[tilespmem:s16+$0x10800] =	vst v7  }
0x180: {  	s12 =	sor.u32 s22, s12;
	v15 =	vld.idx.msk [tilespmem:v15+s4+$0x0], $0xffff;
	[dreg:$0xe] =	wrdreg s18  }
0x181: {  	s21 =	sor.u32 s1, s21;
	[tilespmem:s12+$0x80] =	vst v16  }
0x182: {  	v13 =	vadd.s32 $0x2180, v2;
	v5 =	vld.idx.msk [tilespmem:v5+s4+$0x0], $0xffff;
	[dreg:$0xa] =	wrdreg s21  }
0x183: {  	s24 =	sor.u32 s1, s24;
	v7 =	vadd.s32 $0x2200, v2;
	[tilespmem:s12+$0x100] =	vst v10  }
0x184: {  	s8 =	sor.u32 s1, s8;
	s25 =	sor.u32 s1, s25;
	v17 =	vadd.s32 $0x2280, v2;
	v8 =	vld.idx.msk [tilespmem:v8+s4+$0x0], $0xffff;
	[dreg:$0xb] =	wrdreg s24  }
0x185: {  	s7 =	sor.u32 s1, s7;
	s13 =	sor.u32 s1, s29;
	v16 =	vadd.s32 $0x2300, v2;
	[dreg:$0x8] =	wrdreg s25  }
0x186: {  	v19 =	vadd.s32 $0x4100, v0;
	s29 =	sor.u32 s1, s31;
	s31 =	sor.u32 s1, s5;
	s14 =	sor.u32 s1, s19;
	[tilespmem:s12+$0x180] =	vst v14  }
0x187: {  	s19 =	sor.u32 $0x300, s30;
	s9 =	sor.u32 s1, s15;
	v10 =	vadd.s32 $0x2380, v2;
	v14 =	vld.idx.msk [tilespmem:v13+s4+$0x0], $0xffff;
	[dreg:$0x9] =	wrdreg s13  }
0x188: {  	v18 =	vadd.s32 $0x4080, v0;
	s15 =	sor.u32 s10, s0;
	s16 =	sor.u32 s1, s28;
	s28 =	sor.u32 s1, s26;
	[tilespmem:s12+$0x200] =	vst v12;
	v12 =	vld.idx.msk [tilespmem:v7+s4+$0x0], $0xffff  }
0x189: {  	v21 =	vadd.s32 $0x4280, v0;
	s2 =	sor.u32 $0x380, s15;
	s26 =	sadd.s32 $0x12900, s6;
	s18 =	sor.u32 s1, s11;
	[tilespmem:s12+$0x280] =	vst v4;
	v4 =	vld.idx.msk [tilespmem:v17+s4+$0x0], $0xffff  }
0x18a: {  	v63 =	vadd.s32 $0x4180, v0;
	s11 =	sor.u32 s1, s20;
	s20 =	sadd.s32 $0x12800, s6;
	s21 =	sadd.s32 $0x12880, s6;
	[tilespmem:s12+$0x0] =	vst v11;
	v16 =	vld.idx.msk [tilespmem:v16+s4+$0x0], $0xffff  }
0x18b: {  	s5 =	sor.u32 s22, s26;
	s15 =	sor.u32 s22, s21;
	s24 =	sor.u32 s23, s20;
	v17 =	vadd.s32 $0x4200, v0;
	v7 =	vld.idx.msk [tilespmem:v19+s4+$0x0], $0xffff;
	[tilespmem:s19+$0x10800] =	vst v6  }
0x18c: {  	s25 =	sor.u32 s23, s21;
	s21 =	sor.u32 s23, s26;
	s26 =	sadd.s32 $0x12A80, s6;
	v13 =	vld.idx.msk [tilespmem:v10+s4+$0x0], $0xffff;
	[tilespmem:s24+$0x0] =	vst v15;
	v15 =	vadd.s32 $0x4300, v0  }
0x18d: {  	s30 =	sadd.s32 $0x12980, s6;
	s13 =	sor.u32 s1, s3;
	s3 =	sor.u32 s23, s26;
	v6 =	vld.idx.msk [tilespmem:v18+s4+$0x0], $0xffff;
	[tilespmem:s25+$0x0] =	vst v5;
	v5 =	vadd.s32 $0x4380, v0  }
0x18e: {  	s1 =	simm.s32 $0x8440;
	s24 =	sor.u32 s23, s30;
	v10 =	vld.idx.msk [tilespmem:v21+s4+$0x0], $0xffff;
	s25 =	sadd.s32 $0x12A00, s6;
	[tilespmem:s21+$0x0] =	vst v8  }
0x18f: {  	s12 =	sor.u32 s22, s20;
	s19 =	sor.u32 s22, s30;
	v8 =	vld.idx.msk [tilespmem:v63+s4+$0x0], $0xffff;
	s30 =	sor.u32 s23, s25;
	[tilespmem:s24+$0x0] =	vst v14  }
0x190: {  	s20 =	sor.u32 s22, s25;
	s21 =	sor.u32 s22, s26;
	s24 =	sadd.s32 $0x12B00, s6;
	v11 =	vld.idx.msk [tilespmem:v17+s4+$0x0], $0xffff;
	[tilespmem:s30+$0x0] =	vst v12  }
0x191: {  	s26 =	sadd.s32 $0x12B80, s6;
	v14 =	vadd.s32 $0x4000, v2;
	s25 =	sor.u32 s22, s24;
	s30 =	sor.u32 s23, s24;
	[tilespmem:s3+$0x0] =	vst v4;
	v4 =	vld.idx.msk [tilespmem:v15+s4+$0x0], $0xffff  }
0x192: {  	s24 =	sor.u32 s22, s26;
	v17 =	vadd.s32 $0x4100, v2;
	s26 =	sor.u32 s23, s26;
	v15 =	vadd.s32 $0x4180, v2;
	s3 =	simm.s32 $0x2;
	[tilespmem:s30+$0x0] =	vst v16;
	v5 =	vld.idx.msk [tilespmem:v5+s4+$0x0], $0xffff;
	v16 =	vadd.s32 $0x4080, v2  }
.LBB2_5:
0x193: {  	_ =	sdelay $0x1  }
0x194: {  	v12 =	vld [tilespmem:s1+$0x0];
	[tilespmem:s26+$0x0] =	vst v13;
	v13 =	vadd.s32 $0x4200, v2  }
0x195: {  	[tilespmem:s2+$0x10800] =	vst v9;
	v18 =	vadd.s32 $0x4300, v2;
	v9 =	vld.idx.msk [tilespmem:v14+s4+$0x0], $0xffff  }
0x196: {  	v14 =	vadd.s32 $0x4280, v2;
	v16 =	vld.idx.msk [tilespmem:v16+s4+$0x0], $0xffff;
	[tilespmem:s7+$0x0] =	vst v3  }
0x197: {  	[dreg:$0x1c] =	wrdreg s5;
	v17 =	vld.idx.msk [tilespmem:v17+s4+$0x0], $0xffff;
	v3 =	vadd.s32 $0x4380, v2;
	[tilespmem:s16+$0x0] =	vst v6  }
0x198: {  	v15 =	vld.idx.msk [tilespmem:v15+s4+$0x0], $0xffff;
	v6 =	vadd.s32 $0x2000, v1;
	s16 =	rddreg [dreg:$0xe];
	[tilespmem:s8+$0x0] =	vst v7  }
0x199: {  	[dreg:$0x18] =	wrdreg s28;
	v7 =	vadd.s32 $0x2080, v1;
	[tilespmem:s16+$0x0] =	vst v8;
	v13 =	vld.idx.msk [tilespmem:v13+s4+$0x0], $0xffff  }
0x19a: {  	[dreg:$0x14] =	wrdreg s13;
	s26 =	sadd.s32 $0x14800, s6;
	v8 =	vadd.s32 $0x2100, v1;
	[tilespmem:s18+$0x0] =	vst v11;
	v18 =	vld.idx.msk [tilespmem:v18+s4+$0x0], $0xffff  }
0x19b: {  	s30 =	sor.u32 s22, s26;
	s7 =	sadd.s32 $0x14880, s6;
	s2 =	sor.u32 s23, s26;
	v11 =	vadd.s32 $0x2180, v1;
	v14 =	vld.idx.msk [tilespmem:v14+s4+$0x0], $0xffff;
	[tilespmem:s9+$0x0] =	vst v10  }
0x19c: {  	[dreg:$0xf] =	wrdreg s30;
	s16 =	sadd.s32 $0x14900, s6;
	s18 =	sor.u32 s23, s7;
	v10 =	vadd.s32 $0x2200, v1;
	v19 =	vld.idx.msk [tilespmem:v3+s4+$0x0], $0xffff;
	[tilespmem:s2+$0x0] =	vst v9  }
0x19d: {  	s13 =	sor.u32 s22, s7;
	s30 =	sadd.s32 $0x14980, s6;
	s5 =	sor.u32 s23, s16;
	v9 =	vadd.s32 $0x2280, v1;
	v3 =	vld.idx.msk [tilespmem:v6+s4+$0x0], $0xffff;
	[tilespmem:s18+$0x0] =	vst v16  }
0x19e: {  	[dreg:$0x1f] =	wrdreg s13;
	s13 =	sor.u32 s23, s30;
	s9 =	sadd.s32 $0x14A00, s6;
	v16 =	vadd.s32 $0x2300, v1;
	v6 =	vld.idx.msk [tilespmem:v7+s4+$0x0], $0xffff;
	[tilespmem:s5+$0x0] =	vst v17  }
0x19f: {  	s28 =	sadd.s32 $0x14A80, s6;
	s26 =	sor.u32 s22, s16;
	s16 =	sor.u32 s23, s9;
	v7 =	vld.idx.msk [tilespmem:v8+s4+$0x0], $0xffff;
	[tilespmem:s13+$0x0] =	vst v15;
	v8 =	vadd.s32 $0x6000, v2  }
0x1a0: {  	s8 =	sor.u32 s22, s30;
	s30 =	sadd.s32 $0x14B00, s6;
	s5 =	sor.u32 s23, s28;
	v11 =	vld.idx.msk [tilespmem:v11+s4+$0x0], $0xffff;
	[tilespmem:s16+$0x0] =	vst v13;
	v13 =	vadd.s32 $0x6080, v2  }
0x1a1: {  	[dreg:$0x19] =	wrdreg s29;
	s29 =	sadd.s32 $0x14B80, s6;
	s7 =	sor.u32 s23, s30;
	v15 =	vadd.s32 $0x6180, v2;
	v10 =	vld.idx.msk [tilespmem:v10+s4+$0x0], $0xffff;
	[tilespmem:s5+$0x0] =	vst v14  }
0x1a2: {  	s18 =	sor.u32 s22, s9;
	s9 =	sor.u32 s23, s29;
	v17 =	vadd.s32 $0x6200, v2;
	v9 =	vld.idx.msk [tilespmem:v9+s4+$0x0], $0xffff;
	[tilespmem:s7+$0x0] =	vst v18  }
0x1a3: {  	v14 =	vadd.s32 $0x6100, v2;
	v16 =	vld.idx.msk [tilespmem:v16+s4+$0x0], $0xffff;
	[tilespmem:s9+$0x0] =	vst v19  }
0x1a4: {  	v18 =	vadd.s32 $0x6280, v2;
	v8 =	vld.idx.msk [tilespmem:v8+s4+$0x0], $0xffff  }
0x1a5: {  	s0 =	sadd.s32 $0x20, s0;
	[dreg:$0xe] =	wrdreg s8;
	[tilespmem:s14+$0x0] =	vst v4;
	v4 =	vld.idx.msk [tilespmem:v13+s4+$0x0], $0xffff;
	v13 =	vadd.s32 $0x6300, v2  }
0x1a6: {  	s8 =	sor.u32 s22, s29;
	[dreg:$0x11] =	wrdreg s26;
	s26 =	sor.u32 s22, s28;
	v15 =	vld.idx.msk [tilespmem:v15+s4+$0x0], $0xffff;
	v2 =	vadd.s32 $0x6380, v2  }
0x1a7: {  	[dreg:$0x13] =	wrdreg s26;
	s28 =	sor.u32 s22, s30;
	s30 =	sadd.s32 $0x16900, s6;
	v17 =	vld.idx.msk [tilespmem:v17+s4+$0x0], $0xffff  }
0x1a8: {  	s5 =	smov.u32 s24;
	s24 =	smov.u32 s21;
	s21 =	smov.u32 s20;
	[tilespmem:s11+$0x0] =	vst v5;
	v5 =	vld.idx.msk [tilespmem:v14+s4+$0x0], $0xffff;
	v14 =	vadd.s32 $0x2380, v1  }
0x1a9: {  	s20 =	smov.u32 s19;
	s19 =	smov.u32 s15;
	s14 =	sadd.s32 $0x16800, s6;
	v19 =	vadd.s32 $0x6000, v0;
	v18 =	vld.idx.msk [tilespmem:v18+s4+$0x0], $0xffff  }
0x1aa: {  	v20 =	vadd.s32 $0x6080, v0;
	s15 =	smov.u32 s28;
	s28 =	sadd.s32 $0x16880, s6;
	s29 =	sor.u32 s23, s14;
	v13 =	vld.idx.msk [tilespmem:v13+s4+$0x0], $0xffff  }
0x1ab: {  	v21 =	vadd.s32 $0x6100, v0;
	s26 =	sor.u32 s22, s28;
	s9 =	smov.u32 s31;
	v2 =	vld.idx.msk [tilespmem:v2+s4+$0x0], $0xffff;
	[tilespmem:s29+$0x0] =	vst v8;
	s29 =	sor.u32 s23, s28  }
0x1ac: {  	s31 =	sadd.s32 $0x16980, s6;
	v8 =	vadd.s32 $0x6180, v0;
	s28 =	sor.u32 s22, s30;
	s30 =	sor.u32 s23, s30;
	[tilespmem:s29+$0x0] =	vst v4  }
0x1ad: {  	s16 =	sadd.s32 $0x16A00, s6;
	v14 =	vld.idx.msk [tilespmem:v14+s4+$0x0], $0xffff;
	v4 =	vadd.s32 $0x6200, v0;
	s29 =	sor.u32 s22, s31;
	s31 =	sor.u32 s23, s31;
	[tilespmem:s30+$0x0] =	vst v5  }
0x1ae: {  	s13 =	smov.u32 s8;
	s7 =	sor.u32 s23, s16;
	s11 =	sadd.s32 $0x16A80, s6;
	v5 =	vld.idx.msk [tilespmem:v19+s4+$0x0], $0xffff;
	v19 =	vadd.s32 $0x6280, v0;
	[tilespmem:s31+$0x0] =	vst v15  }
0x1af: {  	[dreg:$0x12] =	wrdreg s13;
	s13 =	sadd.s32 $0x16B00, s6;
	s8 =	sor.u32 s23, s11;
	v15 =	vld.idx.msk [tilespmem:v20+s4+$0x0], $0xffff;
	[tilespmem:s7+$0x0] =	vst v17  }
0x1b0: {  	v55 =	vadd.s32 $0x6300, v0;
	v54 =	vshll.u32 v12, $0x3;
	s30 =	sor.u32 s22, s16;
	s16 =	sadd.s32 $0x16B80, s6;
	v17 =	vld.idx.msk [tilespmem:v21+s4+$0x0], $0xffff;
	[tilespmem:s8+$0x0] =	vst v18;
	s8 =	sor.u32 s23, s13  }
0x1b1: {  	v12 =	vand.u32 $0x7F, v12;
	s2 =	sor.u32 s22, s14;
	s14 =	sand.u32 $0x60, s0;
	v20 =	vand.u32 $0xFFFFFC00, v54;
	v18 =	vld.idx.msk [tilespmem:v8+s4+$0x0], $0xffff;
	v8 =	vadd.s32 $0x6380, v0;
	[tilespmem:s8+$0x0] =	vst v13;
	s8 =	sor.u32 s23, s16  }
0x1b2: {  	s7 =	sand.u32 $0x380, s0;
	v0 =	vmov v1;
	v1 =	vor.u32 v12, v20;
	s23 =	sor.u32 $0x10, s14;
	v4 =	vld.idx.msk [tilespmem:v4+s4+$0x0], $0xffff;
	[tilespmem:s8+$0x0] =	vst v2  }
0x1b3: {  	v13 =	vor.u32 $0x80, v1;
	s7 =	sor.u32 s23, s7;
	v19 =	vld.idx.msk [tilespmem:v19+s4+$0x0], $0xffff;
	[tilespmem:s12+$0x0] =	vst v3  }
0x1b4: {  	v2 =	vor.u32 $0x100, v1;
	s8 =	rddreg [dreg:$0x1c];
	v56 =	vld [tilespmem:s7+$0x8400];
	[tilespmem:s19+$0x0] =	vst v6  }
0x1b5: {  	v3 =	vor.u32 $0x180, v1;
	v21 =	vld.idx.msk [tilespmem:v55+s4+$0x0], $0xffff;
	[tilespmem:s8+$0x0] =	vst v7  }
0x1b6: {  	v6 =	vor.u32 $0x200, v1;
	v22 =	vld.idx.msk [tilespmem:v8+s4+$0x0], $0xffff  }
0x1b7: {  	v7 =	vadd.s32 $0x4000, v0;
	v12 =	vld.idx.msk [tilespmem:v1+s4+$0x0], $0xffff;
	[tilespmem:s20+$0x0] =	vst v11  }
0x1b8: {  	v8 =	vadd.s32 $0x4080, v0;
	v13 =	vld.idx.msk [tilespmem:v13+s4+$0x0], $0xffff;
	[tilespmem:s21+$0x0] =	vst v10  }
0x1b9: {  	v23 =	vld.idx.msk [tilespmem:v2+s4+$0x0], $0xffff;
	[tilespmem:s24+$0x0] =	vst v9;
	v9 =	vadd.s32 $0x4100, v0;
	v2 =	vshll.u32 v56, $0x3  }
0x1ba: {  	s6 =	sor.u32 s22, s13;
	v10 =	vadd.s32 $0x4180, v0;
	v24 =	vld.idx.msk [tilespmem:v3+s4+$0x0], $0xffff;
	v3 =	vand.u32 $0x7F, v56;
	[tilespmem:s25+$0x0] =	vst v16;
	v2 =	vand.u32 $0xFFFFFC00, v2  }
0x1bb: {  	s31 =	sor.u32 s22, s11;
	s11 =	rddreg [dreg:$0xa];
	s12 =	sor.u32 s22, s16;
	v16 =	vld.idx.msk [tilespmem:v6+s4+$0x0], $0xffff;
	[tilespmem:s5+$0x0] =	vst v14;
	v2 =	vor.u32 v3, v2  }
0x1bc: {  	s22 =	smov.u32 s14;
	s14 =	smov.u32 s15;
	s15 =	rddreg [dreg:$0xb];
	v3 =	vld.idx.msk [tilespmem:v7+s4+$0x0], $0xffff;
	[tilespmem:s11+$0x0] =	vst v5;
	v11 =	vor.u32 $0x80, v2  }
0x1bd: {  	s20 =	rddreg [dreg:$0x8];
	v5 =	vor.u32 $0x100, v2;
	v6 =	vld.idx.msk [tilespmem:v8+s4+$0x0], $0xffff;
	[tilespmem:s15+$0x0] =	vst v15  }
0x1be: {  	v14 =	vor.u32 $0x180, v2;
	v7 =	vld.idx.msk [tilespmem:v9+s4+$0x0], $0xffff;
	[tilespmem:s20+$0x0] =	vst v17  }
0x1bf: {  	s24 =	rddreg [dreg:$0x18];
	v15 =	vor.u32 $0x280, v2;
	v8 =	vld.idx.msk [tilespmem:v10+s4+$0x0], $0xffff  }
0x1c0: {  	s25 =	rddreg [dreg:$0x9];
	v9 =	vor.u32 $0x200, v2;
	[tilespmem:s24+$0x0] =	vst v18;
	v10 =	vld.idx.msk [tilespmem:v2+s4+$0x0], $0xffff  }
0x1c1: {  	v17 =	vor.u32 $0x380, v2;
	[tilespmem:s25+$0x0] =	vst v4;
	v4 =	vld.idx.msk [tilespmem:v11+s4+$0x0], $0xffff  }
0x1c2: {  	s10 =	sadd.s32 $0x100, s10;
	v11 =	vor.u32 $0x300, v2;
	v5 =	vld.idx.msk [tilespmem:v5+s4+$0x0], $0xffff  }
0x1c3: {  	v25 =	vor.u32 $0x280, v1;
	s21 =	smov.u32 s28;
	s28 =	smov.u32 s29;
	s5 =	rddreg [dreg:$0x19];
	v14 =	vld.idx.msk [tilespmem:v14+s4+$0x0], $0xffff  }
0x1c4: {  	s29 =	smov.u32 s31;
	s31 =	smov.u32 s6;
	s6 =	sand.u32 $0x1C00, s10;
	v18 =	vadd.s32 $0x4200, v0;
	[tilespmem:s5+$0x0] =	vst v19;
	v15 =	vld.idx.msk [tilespmem:v15+s4+$0x0], $0xffff  }
0x1c5: {  	v26 =	vor.u32 $0x300, v1;
	s7 =	rddreg [dreg:$0x14];
	s11 =	sadd.s32 $0x10800, s6;
	[tilespmem:s9+$0x0] =	vst v21;
	v9 =	vld.idx.msk [tilespmem:v9+s4+$0x0], $0xffff  }
0x1c6: {  	v19 =	vadd.s32 $0x4280, v0;
	[tilespmem:s7+$0x0] =	vst v22;
	s7 =	sor.u32 s23, s11;
	v17 =	vld.idx.msk [tilespmem:v17+s4+$0x0], $0xffff  }
0x1c7: {  	s17 =	sadd.s32 $0x1, s17;
	v57 =	vadd.s32 $0x4300, v0;
	v58 =	vld.idx.msk [tilespmem:v11+s4+$0x0], $0xffff;
	[tilespmem:s7+$0x0] =	vst v10  }
0x1c8: {  	v59 =	vadd.s32 $0x4380, v0;
	s8 =	sor.u32 s10, s0;
	s15 =	sand.u32 $0x3, s17;
	v60 =	vld.idx.msk [tilespmem:v25+s4+$0x0], $0xffff;
	[tilespmem:s7+$0x80] =	vst v4  }
0x1c9: {  	s13 =	smov.u32 s2;
	s2 =	sor.u32 $0x380, s8;
	s8 =	sshll.u32 s15, $0x5;
	v11 =	vld.idx.msk [tilespmem:v18+s4+$0x0], $0xffff;
	v18 =	vor.u32 $0x380, v1;
	[tilespmem:s7+$0x100] =	vst v5  }
0x1ca: {  	s19 =	smov.u32 s26;
	s8 =	sadd.s32 s8, s10;
	v61 =	vld.idx.msk [tilespmem:v26+s4+$0x0], $0xffff;
	[tilespmem:s7+$0x180] =	vst v14  }
0x1cb: {  	[dreg:$0xb] =	wrdreg s19;
	s19 =	sor.u32 $0x300, s8;
	s8 =	sadd.s32 $0x10, s8;
	v10 =	vld.idx.msk [tilespmem:v19+s4+$0x0], $0xffff;
	v14 =	vadd.s32 $0x2000, v2;
	[tilespmem:s7+$0x280] =	vst v15  }
0x1cc: {  	s20 =	sor.u32 $0x300, s8;
	v4 =	vld.idx.msk [tilespmem:v57+s4+$0x0], $0xffff;
	v19 =	vadd.s32 $0x2080, v2;
	[tilespmem:s7+$0x200] =	vst v9  }
0x1cd: {  	[dreg:$0xa] =	wrdreg s13;
	s13 =	smov.u32 s12;
	s12 =	sor.u32 s22, s11;
	v5 =	vld.idx.msk [tilespmem:v59+s4+$0x0], $0xffff;
	v15 =	vadd.s32 $0x2100, v2;
	[tilespmem:s20+$0x10800] =	vst v58  }
0x1ce: {  	[dreg:$0x8] =	wrdreg s21;
	v62 =	vadd.s32 $0x2180, v2;
	s21 =	sor.u32 $0x380, s8;
	v9 =	vld.idx.msk [tilespmem:v18+s4+$0x0], $0xffff;
	[tilespmem:s12+$0x80] =	vst v13  }
0x1cf: {  	v13 =	vadd.s32 $0x2280, v2;
	[tilespmem:s21+$0x10800] =	vst v17  }
0x1d0: {  	v63 =	vadd.s32 $0x2380, v2;
	v14 =	vld.idx.msk [tilespmem:v14+s4+$0x0], $0xffff  }
0x1d1: {  	[tilespmem:s12+$0x100] =	vst v23;
	v17 =	vadd.s32 $0x2200, v2;
	v18 =	vld.idx.msk [tilespmem:v19+s4+$0x0], $0xffff  }
0x1d2: {  	s3 =	sadd.s32 $0x2, s3;
	s1 =	sadd.s32 $0x20, s1;
	[tilespmem:s12+$0x180] =	vst v24;
	v19 =	vadd.s32 $0x2300, v2;
	v15 =	vld.idx.msk [tilespmem:v15+s4+$0x0], $0xffff  }
0x1d3: {  	p0 =	slt.u32 s3, $0x3E;
	s16 =	rddreg [dreg:$0x1f];
	s26 =	smov.u32 s30;
	[tilespmem:s12+$0x200] =	vst v16;
	v16 =	vld.idx.msk [tilespmem:v62+s4+$0x0], $0xffff  }
0x1d4: {  	s30 =	sadd.s32 $0x12980, s6;
	[dreg:$0x9] =	wrdreg s26;
	s26 =	sadd.s32 $0x12900, s6;
	[tilespmem:s12+$0x0] =	vst v12;
	v12 =	vld.idx.msk [tilespmem:v13+s4+$0x0], $0xffff  }
0x1d5: {  	s24 =	sadd.s32 $0x12800, s6;
	s25 =	sadd.s32 $0x12880, s6;
	s8 =	rddreg [dreg:$0x11];
	[tilespmem:s12+$0x280] =	vst v60;
	v13 =	vld.idx.msk [tilespmem:v63+s4+$0x0], $0xffff  }
0x1d6: {  	s5 =	sor.u32 s23, s24;
	s15 =	sor.u32 s22, s25;
	s9 =	rddreg [dreg:$0x13];
	[tilespmem:s19+$0x10800] =	vst v61;
	v17 =	vld.idx.msk [tilespmem:v17+s4+$0x0], $0xffff  }
0x1d7: {  	s11 =	rddreg [dreg:$0x12];
	s7 =	sor.u32 s23, s25;
	s25 =	sadd.s32 $0x12A80, s6;
	v19 =	vld.idx.msk [tilespmem:v19+s4+$0x0], $0xffff;
	[tilespmem:s5+$0x0] =	vst v14  }
0x1d8: {  	s12 =	sor.u32 s22, s24;
	s20 =	sor.u32 s23, s26;
	s24 =	sor.u32 s23, s30;
	[tilespmem:s7+$0x0] =	vst v18  }
.Ltmp1:
0x1d9: {  	s19 =	sor.u32 s22, s30;
	s21 =	sadd.s32 $0x12A00, s6;
	[tilespmem:s20+$0x0] =	vst v15;
	(pc) =	sbr.rel @p0 .LBB2_5-.Ltmp1, $4  }
0x1da: {  	s30 =	sadd.s32 $0x12B00, s6;
	s5 =	sor.u32 s22, s26;
	s26 =	sor.u32 s23, s21;
	[tilespmem:s24+$0x0] =	vst v16  }
0x1db: {  	s20 =	sor.u32 s22, s21;
	s21 =	sor.u32 s22, s25;
	s24 =	sor.u32 s23, s25;
	[tilespmem:s26+$0x0] =	vst v17  }
0x1dc: {  	v14 =	vadd.s32 $0x4000, v2;
	s25 =	sor.u32 s22, s30;
	s30 =	sor.u32 s23, s30;
	s26 =	sadd.s32 $0x12B80, s6;
	[tilespmem:s24+$0x0] =	vst v12  }
0x1dd: {  	s7 =	rddreg [dreg:$0xf];
	v15 =	vadd.s32 $0x4180, v2;
	v16 =	vadd.s32 $0x4080, v2;
	v17 =	vadd.s32 $0x4100, v2;
	s24 =	sor.u32 s22, s26;
	s26 =	sor.u32 s23, s26;
	[tilespmem:s30+$0x0] =	vst v19  }
0x1de: {  	_ =	sdelay $0x1  }
0x1df: {  	[tilespmem:s26+$0x0] =	vst v13  }
0x1e0: {  	v12 =	vadd.s32 $0x4200, v2;
	[tilespmem:s2+$0x10800] =	vst v9  }
0x1e1: {  	v41 =	vadd.s32 $0x4280, v2;
	[tilespmem:s7+$0x0] =	vst v3;
	v13 =	vld.idx.msk [tilespmem:v14+s4+$0x0], $0xffff  }
0x1e2: {  	v43 =	vadd.s32 $0x4300, v2;
	v42 =	vld.idx.msk [tilespmem:v16+s4+$0x0], $0xffff;
	[tilespmem:s16+$0x0] =	vst v6  }
0x1e3: {  	v45 =	vadd.s32 $0x4380, v2;
	v44 =	vld.idx.msk [tilespmem:v17+s4+$0x0], $0xffff;
	[tilespmem:s8+$0x0] =	vst v7  }
0x1e4: {  	v46 =	vld.idx.msk [tilespmem:v15+s4+$0x0], $0xffff;
	s0 =	rddreg [dreg:$0xe]  }
0x1e5: {  	v48 =	vadd.s32 $0x2000, v1;
	[tilespmem:s0+$0x0] =	vst v8;
	v47 =	vld.idx.msk [tilespmem:v12+s4+$0x0], $0xffff  }
0x1e6: {  	v50 =	vadd.s32 $0x2080, v1;
	s0 =	sadd.s32 $0x14800, s6;
	v49 =	vld.idx.msk [tilespmem:v41+s4+$0x0], $0xffff;
	[tilespmem:s18+$0x0] =	vst v11  }
0x1e7: {  	v52 =	vadd.s32 $0x2100, v1;
	s1 =	sadd.s32 $0x14880, s6;
	v51 =	vld.idx.msk [tilespmem:v43+s4+$0x0], $0xffff;
	s3 =	sor.u32 s23, s0;
	[tilespmem:s9+$0x0] =	vst v10  }
0x1e8: {  	v54 =	vadd.s32 $0x2180, v1;
	s10 =	sor.u32 s23, s1;
	v53 =	vld.idx.msk [tilespmem:v45+s4+$0x0], $0xffff;
	[tilespmem:s3+$0x0] =	vst v13  }
0x1e9: {  	s2 =	sadd.s32 $0x14900, s6;
	v57 =	vadd.s32 $0x2280, v1;
	[tilespmem:s10+$0x0] =	vst v42  }
0x1ea: {  	v59 =	vadd.s32 $0x2300, v1;
	s16 =	sor.u32 s23, s2;
	v56 =	vld.idx.msk [tilespmem:v48+s4+$0x0], $0xffff;
	[tilespmem:s14+$0x0] =	vst v4  }
0x1eb: {  	v61 =	vadd.s32 $0x2380, v1;
	v58 =	vld.idx.msk [tilespmem:v50+s4+$0x0], $0xffff;
	s3 =	sadd.s32 $0x14980, s6;
	[tilespmem:s16+$0x0] =	vst v44  }
0x1ec: {  	v55 =	vadd.s32 $0x2200, v1;
	s8 =	sadd.s32 $0x14A00, s6;
	v60 =	vld.idx.msk [tilespmem:v52+s4+$0x0], $0xffff;
	s17 =	sor.u32 s23, s3;
	[tilespmem:s11+$0x0] =	vst v5  }
0x1ed: {  	v62 =	vadd.s32 $0x6000, v2;
	s18 =	sor.u32 s23, s8;
	v63 =	vld.idx.msk [tilespmem:v54+s4+$0x0], $0xffff;
	s9 =	sadd.s32 $0x14A80, s6;
	[tilespmem:s17+$0x0] =	vst v46  }
0x1ee: {  	v16 =	vadd.s32 $0x6080, v2;
	v9 =	vld.idx.msk [tilespmem:v57+s4+$0x0], $0xffff;
	s10 =	sadd.s32 $0x14B00, s6;
	s26 =	sor.u32 s23, s9;
	[tilespmem:s18+$0x0] =	vst v47  }
0x1ef: {  	v17 =	vadd.s32 $0x6100, v2;
	v12 =	vld.idx.msk [tilespmem:v59+s4+$0x0], $0xffff;
	s30 =	sor.u32 s23, s10;
	[tilespmem:s26+$0x0] =	vst v49;
	s26 =	sadd.s32 $0x14B80, s6  }
0x1f0: {  	v18 =	vadd.s32 $0x6180, v2;
	v14 =	vld.idx.msk [tilespmem:v61+s4+$0x0], $0xffff;
	[tilespmem:s30+$0x0] =	vst v51;
	s16 =	sor.u32 s23, s26  }
0x1f1: {  	v19 =	vadd.s32 $0x6200, v2;
	v13 =	vld.idx.msk [tilespmem:v55+s4+$0x0], $0xffff;
	[tilespmem:s16+$0x0] =	vst v53  }
0x1f2: {  	v21 =	vadd.s32 $0x6280, v2;
	[tilespmem:s12+$0x0] =	vst v56;
	v20 =	vld.idx.msk [tilespmem:v62+s4+$0x0], $0xffff  }
0x1f3: {  	v23 =	vadd.s32 $0x6300, v2;
	[tilespmem:s15+$0x0] =	vst v58;
	v22 =	vld.idx.msk [tilespmem:v16+s4+$0x0], $0xffff  }
0x1f4: {  	v24 =	vadd.s32 $0x6380, v2;
	[tilespmem:s5+$0x0] =	vst v60;
	v10 =	vld.idx.msk [tilespmem:v17+s4+$0x0], $0xffff  }
0x1f5: {  	v25 =	vadd.s32 $0x4000, v1;
	[tilespmem:s19+$0x0] =	vst v63;
	v4 =	vld.idx.msk [tilespmem:v18+s4+$0x0], $0xffff  }
0x1f6: {  	v26 =	vadd.s32 $0x4080, v1;
	v5 =	vld.idx.msk [tilespmem:v19+s4+$0x0], $0xffff;
	[tilespmem:s20+$0x0] =	vst v13  }
0x1f7: {  	v27 =	vadd.s32 $0x4100, v1;
	v8 =	vld.idx.msk [tilespmem:v21+s4+$0x0], $0xffff;
	[tilespmem:s21+$0x0] =	vst v9  }
0x1f8: {  	v28 =	vadd.s32 $0x4180, v1;
	v11 =	vld.idx.msk [tilespmem:v23+s4+$0x0], $0xffff;
	[tilespmem:s25+$0x0] =	vst v12  }
0x1f9: {  	v29 =	vadd.s32 $0x4200, v1;
	v2 =	vld.idx.msk [tilespmem:v24+s4+$0x0], $0xffff;
	[tilespmem:s24+$0x0] =	vst v14  }
0x1fa: {  	v31 =	vadd.s32 $0x4280, v1;
	s5 =	sadd.s32 $0x16800, s6;
	v30 =	vld.idx.msk [tilespmem:v25+s4+$0x0], $0xffff  }
0x1fb: {  	s7 =	sadd.s32 $0x16880, s6;
	v33 =	vadd.s32 $0x4300, v1;
	s17 =	sor.u32 s23, s5;
	v32 =	vld.idx.msk [tilespmem:v26+s4+$0x0], $0xffff  }
0x1fc: {  	v34 =	vadd.s32 $0x4380, v1;
	s11 =	sadd.s32 $0x16900, s6;
	s18 =	sor.u32 s23, s7;
	v9 =	vld.idx.msk [tilespmem:v27+s4+$0x0], $0xffff;
	[tilespmem:s17+$0x0] =	vst v20  }
0x1fd: {  	s12 =	sadd.s32 $0x16980, s6;
	s19 =	sor.u32 s23, s11;
	v36 =	vld.idx.msk [tilespmem:v28+s4+$0x0], $0xffff;
	[tilespmem:s18+$0x0] =	vst v22  }
0x1fe: {  	s14 =	sadd.s32 $0x16A00, s6;
	s20 =	sor.u32 s23, s12;
	v38 =	vld.idx.msk [tilespmem:v29+s4+$0x0], $0xffff;
	[tilespmem:s19+$0x0] =	vst v10  }
0x1ff: {  	s21 =	sor.u32 s23, s14;
	v7 =	vld.idx.msk [tilespmem:v31+s4+$0x0], $0xffff;
	[tilespmem:s20+$0x0] =	vst v4  }
0x200: {  	s0 =	sor.u32 s22, s0;
	s15 =	sadd.s32 $0x16A80, s6;
	v13 =	vld.idx.msk [tilespmem:v33+s4+$0x0], $0xffff;
	[tilespmem:s21+$0x0] =	vst v5  }
0x201: {  	v35 =	vadd.s32 $0x6000, v0;
	s17 =	sor.u32 s23, s15;
	v10 =	vld.idx.msk [tilespmem:v34+s4+$0x0], $0xffff;
	[tilespmem:s0+$0x0] =	vst v30  }
0x202: {  	v40 =	vadd.s32 $0x6180, v0;
	s30 =	sor.u32 s22, s1;
	s16 =	sadd.s32 $0x16B00, s6;
	[tilespmem:s17+$0x0] =	vst v8  }
0x203: {  	v45 =	vadd.s32 $0x6380, v0;
	s24 =	sor.u32 s23, s16;
	[tilespmem:s30+$0x0] =	vst v32  }
0x204: {  	v43 =	vadd.s32 $0x6280, v0;
	s1 =	sor.u32 s22, s2;
	s6 =	sadd.s32 $0x16B80, s6;
	[tilespmem:s24+$0x0] =	vst v11  }
0x205: {  	v37 =	vadd.s32 $0x6080, v0;
	s25 =	sor.u32 s23, s6;
	[tilespmem:s1+$0x0] =	vst v9  }
0x206: {  	v44 =	vadd.s32 $0x6300, v0;
	v42 =	vld.idx.msk [tilespmem:v35+s4+$0x0], $0xffff;
	s2 =	sor.u32 s22, s3;
	[tilespmem:s25+$0x0] =	vst v2  }
0x207: {  	v39 =	vadd.s32 $0x6100, v0;
	v46 =	vld.idx.msk [tilespmem:v40+s4+$0x0], $0xffff;
	s3 =	sor.u32 s22, s8;
	[tilespmem:s2+$0x0] =	vst v36  }
0x208: {  	v41 =	vadd.s32 $0x6200, v0;
	v0 =	vld.idx.msk [tilespmem:v45+s4+$0x0], $0xffff;
	s8 =	sor.u32 s22, s9;
	[tilespmem:s3+$0x0] =	vst v38  }
0x209: {  	v49 =	vld.idx.msk [tilespmem:v43+s4+$0x0], $0xffff;
	s9 =	sor.u32 s22, s10;
	[tilespmem:s8+$0x0] =	vst v7  }
0x20a: {  	s10 =	sor.u32 s22, s26;
	v5 =	vld.idx.msk [tilespmem:v37+s4+$0x0], $0xffff;
	[tilespmem:s9+$0x0] =	vst v13  }
0x20b: {  	v6 =	vld.idx.msk [tilespmem:v44+s4+$0x0], $0xffff;
	[tilespmem:s10+$0x0] =	vst v10  }
0x20c: {  	v47 =	vadd.s32 $0x6000, v1;
	v8 =	vld.idx.msk [tilespmem:v39+s4+$0x0], $0xffff;
	s0 =	rddreg [dreg:$0xa]  }
0x20d: {  	v48 =	vadd.s32 $0x6080, v1;
	v2 =	vld.idx.msk [tilespmem:v41+s4+$0x0], $0xffff;
	[tilespmem:s0+$0x0] =	vst v42  }
0x20e: {  	v50 =	vadd.s32 $0x6100, v1;
	s0 =	rddreg [dreg:$0xb]  }
0x20f: {  	v51 =	vadd.s32 $0x6180, v1;
	[tilespmem:s0+$0x0] =	vst v5  }
0x210: {  	v52 =	vadd.s32 $0x6200, v1;
	s0 =	rddreg [dreg:$0x8]  }
0x211: {  	v54 =	vadd.s32 $0x6280, v1;
	v53 =	vld.idx.msk [tilespmem:v47+s4+$0x0], $0xffff;
	[tilespmem:s0+$0x0] =	vst v8  }
0x212: {  	v56 =	vadd.s32 $0x6300, v1;
	v55 =	vld.idx.msk [tilespmem:v48+s4+$0x0], $0xffff;
	[tilespmem:s28+$0x0] =	vst v46  }
0x213: {  	v58 =	vadd.s32 $0x6380, v1;
	v57 =	vld.idx.msk [tilespmem:v50+s4+$0x0], $0xffff;
	s0 =	rddreg [dreg:$0x9]  }
0x214: {  	v59 =	vld.idx.msk [tilespmem:v51+s4+$0x0], $0xffff;
	[tilespmem:s0+$0x0] =	vst v2  }
0x215: {  	v60 =	vld.idx.msk [tilespmem:v52+s4+$0x0], $0xffff;
	[tilespmem:s29+$0x0] =	vst v49  }
0x216: {  	v61 =	vld.idx.msk [tilespmem:v54+s4+$0x0], $0xffff;
	[tilespmem:s31+$0x0] =	vst v6  }
0x217: {  	v62 =	vld.idx.msk [tilespmem:v56+s4+$0x0], $0xffff;
	[tilespmem:s13+$0x0] =	vst v0;
	s13 =	sor.u32 s22, s5  }
0x218: {  	s17 =	sor.u32 s22, s7;
	v63 =	vld.idx.msk [tilespmem:v58+s4+$0x0], $0xffff;
	[tilespmem:s13+$0x0] =	vst v53  }
0x219: {  	s18 =	sor.u32 s22, s11;
	[tilespmem:s17+$0x0] =	vst v55  }
0x21a: {  	s19 =	sor.u32 s22, s12;
	[tilespmem:s18+$0x0] =	vst v57  }
0x21b: {  	s20 =	sor.u32 s22, s14;
	[tilespmem:s19+$0x0] =	vst v59  }
0x21c: {  	s23 =	sor.u32 s22, s15;
	s21 =	sld [smem:$0x7F7];
	[tilespmem:s20+$0x0] =	vst v60  }
0x21d: {  	s24 =	sor.u32 s22, s16;
	[tilespmem:s23+$0x0] =	vst v61  }
0x21e: {  	s26 =	sor.u32 s22, s6;
	s25 =	sld [smem:$0x7FB];
	[tilespmem:s24+$0x0] =	vst v62  }
0x21f: {  	[tilespmem:s26+$0x0] =	vst v63  }
0x220: {  	s31 =	sld [smem:$0x7F8];
	_ =	sdelay $0x2  }
0x221: {  	s5 =	sadd.s32 $0x1, s31  }
0x222: {  	s1 =	smul.u32 $0xFA000, s21;
	p0 =	sne.s32 s5, $0x19  }
.Ltmp2:
0x223: {  	_ = 	snop;
	(pc) =	sbr.rel @p0 .LBB2_2-.Ltmp2, $4  }
0x224: {  	s1 =	sadd.s32 s25, s1  }
0x225: {  	s29 =	rddreg [dreg:$0x2];
	s28 =	sshrl.u32 s1, $0x3  }
0x226: {  	s30 =	simm.s32 $0x10800;
	s0 =	sadd.s32 s29, s28  }
0x227: {  	[hbm4b:s0+s4] =	stream.linear.scatter [tilespmem:s30], [sflag:$0x4], $0x8000, $0x38;
	[tilespmem:$0x18800] =	vst v63  }
0x228: {  	s0 =	simm.s32 $0x3  }
0x229: {  	_ =	swait.ge [sflag:s0], $0x8000  }
0x22a: {  	[sflag:s0] =	ssyncset.done $0x0  }
0x22b: {  	s1 =	simm.s32 $0x4;
	[sflag:s0] =	ssyncadd.s32 $0xFFFF8000  }
0x22c: {  	_ =	swait.ge [sflag:s1], $0x8000  }
0x22d: {  	s2 =	sld [smem:$0x7FA]  }
0x22e: {  	s31 =	sld [smem:$0x7FD];
	_ =	sdelay $0x1  }
0x22f: {  	s2 =	sadd.s32 $0x1, s2  }
0x230: {  	p0 =	sne.s32 s2, s31  }
.Ltmp3:
0x231: {  	_ = 	snop;
	(pc) =	sbr.rel @p0 .LBB2_1-.Ltmp3, $3  }
0x232: {  	_ =	sdelay $0x1  }
0x233: {  	[sflag:s1] =	ssyncset.done $0x0  }
0x234: {  	[sflag:s1] =	ssyncadd.s32 $0xFFFF8000  }
0x235: {  	_ =	sfence.sel $0x180000  }
0x236: {  	[bflag:$0x0] =	sbarrier.arrive $0xFFFF  }
0x237: {  	_ =	strace $0x90000047  }
0x238: {  	s0 =	stileid.u32;
	[bflag:$0x2] =	sbarrier.arrive $0xFFFF  }
0x239: {  	p0 =	sne.s32 s0, $0x0;
	s0 =	rddreg [dreg:$0x3]  }
0x23a: {  	s0 =	sadd.s32 @!p0 $0x100000, s0  }
0x23b: {  	[sflag:s0] =	ssyncadd.tile.s32 @!p0 $0x1;
	_ =	shalt  }
.Lfunc_end2:
_tile_overlayer_lowered:
.L_overlay_start_2:
0x23c: {  	(tag) =	ssettag $0x2  }
0x23d: {  	s0 =	rddreg [dreg:$0x0];
	s2 =	stileid.u32  }
0x23e: {  	s1 =	rddreg [dreg:$0x1];
	p0 =	sne.s32 s2, $0x0  }
0x23f: {  	s3 =	rddreg [dreg:$0x2];
	[bflag:$0x3] =	sbarrier.arrive $0xFFFF;
	s2 =	simm.s32 @!p0 $0x1C05  }
0x240: {  	[timem:s3], [sflag:s2] =	dma.local @!p0 [hbm:s0], s1  }
0x241: {  	s0 =	simm.s32 @!p0 $0x5  }
0x242: {  	_ =	swait.ge @!p0 [sflag:s0], s1  }
0x243: {  	s1 =	ssub.s32 @!p0 $0x0, s1;
	[sflag:s0] =	ssyncset.done @!p0 $0x0  }
0x244: {  	[sflag:s0] =	ssyncadd.s32 @!p0 s1  }
0x245: {  	[bflag:$0x3] =	sbarrier.arrive $0xFFFF  }
0x246: {  	_ =	shalt  }

</sc_bundles>
